<compile_context>
chip_gen: v7x
topology: tpu7x:2x2x1
jax: 0.10.2.dev20260603
libtpu: 0.0.44.dev20260713+nightly
codegen_flags: <defaults>
</compile_context>

<pallas_src>
import functools

import jax
import jax.numpy as jnp
from jax import lax
from jax.experimental import pallas as pl
from jax.experimental.pallas import tpu as pltpu
from jax.experimental.pallas import tpu_sc as plsc

F = 26
V = 100000
E = 32
EPS = 1e-5
_GROUPS = (26,)

try:
    _info = plsc.get_sparse_core_info()
    _NC, _NS = _info.num_cores, _info.num_subcores
except Exception:
    _NC, _NS = 2, 16
_NW = _NC * _NS
_CHUNK = 128


def _emb_gather(idxe_hbm, emb_hbm, out_emb, idxe_v, buf_v, sem_e, wid,
                nechunk, nhalf):
    half = nechunk // nhalf
    for h in range(nhalf):
        pltpu.sync_copy(idxe_hbm.at[wid].at[pl.ds(h * half, half)], idxe_v)

        def _fire(j, _):
            pltpu.async_copy(emb_hbm.at[idxe_v.at[j]], buf_v.at[j], sem_e)
            return 0

        lax.fori_loop(0, half, _fire, 0)

        def _drain(j, _):
            pltpu.make_async_copy(emb_hbm.at[pl.ds(0, _CHUNK)],
                                  buf_v.at[0], sem_e).wait()
            return 0

        lax.fori_loop(0, half, _drain, 0)
        pltpu.sync_copy(buf_v, out_emb.at[wid].at[pl.ds(h * half, half)])


def _sc_gather_fm_body(idxr_hbm, idxe_hbm, emb_hbm, fm_hbm, out_emb, out_fm,
                       idxr_v, idxe_v, buf_v, fm_v, sem_e, sem_f,
                       *, nrchunk, nechunk, nhalf):
    wid = lax.axis_index("s") * _NC + lax.axis_index("c")
    pltpu.sync_copy(idxr_hbm.at[wid], idxr_v)
    fm_copies = []
    for c in range(nrchunk):
        fm_copies.append(pltpu.async_copy(
            fm_hbm.at[idxr_v.at[c]], fm_v.at[c], sem_f))
    _emb_gather(idxe_hbm, emb_hbm, out_emb, idxe_v, buf_v, sem_e, wid,
                nechunk, nhalf)
    for cp in fm_copies:
        cp.wait()
    pltpu.sync_copy(fm_v, out_fm.at[wid])


def _sc_gather_body(idxe_hbm, emb_hbm, out_emb, idxe_v, buf_v, sem_e,
                    *, nechunk, nhalf):
    wid = lax.axis_index("s") * _NC + lax.axis_index("c")
    _emb_gather(idxe_hbm, emb_hbm, out_emb, idxe_v, buf_v, sem_e, wid,
                nechunk, nhalf)


def _sc_gather(idxe, flat_e, idxr=None, flat_fm=None):
    nechunk = idxe.shape[1]
    nhalf = 2
    mesh = plsc.VectorSubcoreMesh(core_axis_name="c", subcore_axis_name="s")
    emb_scratch = [
        pltpu.VMEM((nechunk // nhalf, _CHUNK), jnp.int32),
        pltpu.VMEM((nechunk // nhalf, _CHUNK), jnp.float32),
        pltpu.SemaphoreType.DMA,
    ]
    if idxr is None:
        kern = pl.kernel(
            functools.partial(_sc_gather_body, nechunk=nechunk, nhalf=nhalf),
            mesh=mesh,
            out_type=jax.ShapeDtypeStruct((_NW, nechunk, _CHUNK),
                                          jnp.float32),
            scratch_types=emb_scratch,
            compiler_params=pltpu.CompilerParams(use_tc_tiling_on_sc=False),
        )
        return kern(idxe, flat_e)
    nrchunk = idxr.shape[1]
    kern = pl.kernel(
        functools.partial(_sc_gather_fm_body, nrchunk=nrchunk,
                          nechunk=nechunk, nhalf=nhalf),
        mesh=mesh,
        out_type=[
            jax.ShapeDtypeStruct((_NW, nechunk, _CHUNK), jnp.float32),
            jax.ShapeDtypeStruct((_NW, nrchunk, _CHUNK), jnp.float32),
        ],
        scratch_types=[
            pltpu.VMEM((nrchunk, _CHUNK), jnp.int32),
            emb_scratch[0],
            emb_scratch[1],
            pltpu.VMEM((nrchunk, _CHUNK), jnp.float32),
            pltpu.SemaphoreType.DMA,
            pltpu.SemaphoreType.DMA,
        ],
        compiler_params=pltpu.CompilerParams(use_tc_tiling_on_sc=False),
    )
    return kern(idxr, idxe, flat_e, flat_fm)


def _mlp_body(*refs):
    ng = len(_GROUPS)
    xs = refs[:ng]
    (fmv_ref, w2_ref, wf_ref, b1_ref, g1_ref, be1_ref, rm1_ref, rv1_ref,
     b2_ref, g2_ref, be2_ref, rm2_ref, rv2_ref, bf_ref) = refs[ng:ng + 14]
    w1s = refs[ng + 14:2 * ng + 14]
    o_ref = refs[2 * ng + 14]

    z1 = b1_ref[...]
    s = jnp.zeros((xs[0].shape[0], E), jnp.float32)
    ss = jnp.zeros((xs[0].shape[0], E), jnp.float32)
    for x_ref, w1_ref, fg in zip(xs, w1s, _GROUPS):
        x = x_ref[...]
        z1 = z1 + jnp.dot(x, w1_ref[...],
                          preferred_element_type=jnp.float32)
        r = lax.broadcasted_iota(jnp.int32, (fg * E, E), 0) % E
        c = lax.broadcasted_iota(jnp.int32, (fg * E, E), 1)
        a_mat = (r == c).astype(jnp.float32)
        s = s + jnp.dot(x, a_mat, preferred_element_type=jnp.float32)
        ss = ss + jnp.dot(x * x, a_mat, preferred_element_type=jnp.float32)
    a1 = g1_ref[...] * lax.rsqrt(rv1_ref[...] + EPS)
    h1 = jnp.maximum(z1, 0.0) * a1 + (be1_ref[...] - rm1_ref[...] * a1)
    z2 = jnp.dot(h1, w2_ref[...], preferred_element_type=jnp.float32) + b2_ref[...]
    a2 = g2_ref[...] * lax.rsqrt(rv2_ref[...] + EPS)
    h2 = jnp.maximum(z2, 0.0) * a2 + (be2_ref[...] - rm2_ref[...] * a2)
    o = jnp.sum(h2 * wf_ref[...], axis=1, keepdims=True)
    fm2 = 0.5 * jnp.sum(s * s - ss, axis=1, keepdims=True)
    fm1 = jnp.sum(fmv_ref[...], axis=1, keepdims=True)
    logit = o + bf_ref[...] + fm1 + fm2
    o_ref[...] = 1.0 / (1.0 + jnp.exp(-logit))


def _tc_mlp(dnns, fmv, w1s, w2t, wf, b1, g1, be1, rm1, rv1, b2, g2, be2,
            rm2, rv2, bf):
    b = dnns[0].shape[0]
    h1 = w2t.shape[0]
    h2 = w2t.shape[1]
    bt = 512
    grid = (b // bt,)
    full = lambda shape: pl.BlockSpec(shape, lambda i: (0, 0))
    in_specs = (
        [pl.BlockSpec((bt, fg * E), lambda i: (i, 0)) for fg in _GROUPS]
        + [pl.BlockSpec((bt, F), lambda i: (i, 0)),
           full((h1, h2)), full((1, h2)),
           full((1, h1)), full((1, h1)), full((1, h1)), full((1, h1)),
           full((1, h1)),
           full((1, h2)), full((1, h2)), full((1, h2)), full((1, h2)),
           full((1, h2)),
           full((1, 1))]
        + [full((fg * E, h1)) for fg in _GROUPS]
    )
    return pl.pallas_call(
        _mlp_body,
        grid=grid,
        in_specs=in_specs,
        out_specs=pl.BlockSpec((bt, 1), lambda i: (i, 0)),
        out_shape=jax.ShapeDtypeStruct((b, 1), jnp.float32),
    )(*dnns, fmv, w2t, wf, b1, g1, be1, rm1, rv1, b2, g2, be2, rm2, rv2,
      bf, *w1s)


def kernel(x, emb_tables, fm_tables, W1, b1, g1, be1, rm1, rv1,
           W2, b2, g2, be2, rm2, rv2, Wf, bf):
    b = x.shape[0]
    n_rows = b * F
    xi = x.astype(jnp.int32)
    idx = xi + (jnp.arange(F, dtype=jnp.int32) * V)[None, :]
    idxr = idx.reshape(_NW, n_rows // (_NW * _CHUNK), _CHUNK)
    flat_fm = fm_tables.reshape(F * V)

    h1 = W1.shape[0]
    w1p = jnp.transpose(W1.reshape(h1, E, F), (2, 1, 0)).reshape(F * E, h1)

    dnns, w1s = [], []
    fm_rows = None
    f0 = 0
    for g, fg in enumerate(_GROUPS):
        f1 = f0 + fg
        idxe = (xi[:, f0:f1, None]
                + ((jnp.arange(fg, dtype=jnp.int32) * E)[:, None]
                   + jnp.arange(E, dtype=jnp.int32)[None, :])[None] * V)
        idxe = idxe.reshape(_NW, b * fg * E // (_NW * _CHUNK), _CHUNK)
        flat_e = jnp.transpose(emb_tables[f0:f1], (0, 2, 1)).reshape(
            fg * E * V)
        if g == 0:
            emb_rows, fm_rows = _sc_gather(idxe, flat_e, idxr, flat_fm)
        else:
            emb_rows = _sc_gather(idxe, flat_e)
        dnns.append(emb_rows.reshape(b, fg * E))
        w1s.append(w1p[f0 * E:f1 * E])
        f0 = f1

    fmv = fm_rows.reshape(b, F)
    w2t = W2.T
    r2 = lambda v: v.reshape(1, -1)
    return _tc_mlp(dnns, fmv, w1s, w2t, r2(Wf), r2(b1), r2(g1), r2(be1),
                   r2(rm1), r2(rv1), r2(b2), r2(g2), r2(be2), r2(rm2),
                   r2(rv2), bf.reshape(1, 1))

# --- scband reference (transcript-rebuilt; emitter-appended) ---
"""Pipeline reference for scband-deep-fm-15753940042086 (READ-ONLY COPY).

The authoritative reference and input builder live on the scoring server;
editing this copy changes nothing except your own understanding.
"""

import jax, jax.numpy as jnp
import numpy as np

FIELD = 26
VOCAB = 100000
EMB = 32
B = 4096
H1 = 512
H2 = 256
EPS = 1e-5


def setup_inputs(seed: int = 0) -> dict:
    key = jax.random.key(seed)
    ks = jax.random.split(key, 12)
    x = jax.random.randint(ks[0], (B, FIELD), 0, VOCAB)
    emb_tables = jax.random.normal(ks[1], (FIELD, VOCAB, EMB), jnp.float32) * 0.02
    fm_tables = jax.random.normal(ks[2], (FIELD, VOCAB, 1), jnp.float32) * 0.02
    d_in = FIELD * EMB
    W1 = jax.random.normal(ks[3], (H1, d_in), jnp.float32) * (1.0 / np.sqrt(d_in))
    b1 = jnp.zeros((H1,), jnp.float32)
    g1 = jnp.ones((H1,), jnp.float32)
    be1 = jnp.zeros((H1,), jnp.float32)
    rm1 = jnp.zeros((H1,), jnp.float32)
    rv1 = jnp.ones((H1,), jnp.float32)
    W2 = jax.random.normal(ks[4], (H2, H1), jnp.float32) * (1.0 / np.sqrt(H1))
    b2 = jnp.zeros((H2,), jnp.float32)
    g2 = jnp.ones((H2,), jnp.float32)
    be2 = jnp.zeros((H2,), jnp.float32)
    rm2 = jnp.zeros((H2,), jnp.float32)
    rv2 = jnp.ones((H2,), jnp.float32)
    Wf = jax.random.normal(ks[5], (1, H2), jnp.float32) * (1.0 / np.sqrt(H2))
    bf = jnp.zeros((1,), jnp.float32)
    return {"x": x, "emb_tables": emb_tables, "fm_tables": fm_tables,
            "W1": W1, "b1": b1, "g1": g1, "be1": be1, "rm1": rm1, "rv1": rv1,
            "W2": W2, "b2": b2, "g2": g2, "be2": be2, "rm2": rm2, "rv2": rv2,
            "Wf": Wf, "bf": bf}


def reference(x, emb_tables, fm_tables, W1, b1, g1, be1, rm1, rv1,
              W2, b2, g2, be2, rm2, rv2, Wf, bf):
    # per-field embedding gathers (SparseCore-style): embed_x[f] = emb_tables[f][x[:, f]]
    xt = x.T  # [F, B]
    embed_x = jax.vmap(lambda t, idx: jnp.take(t, idx, axis=0))(emb_tables, xt)  # [F, B, E]
    fm_first = jax.vmap(lambda t, idx: jnp.take(t, idx, axis=0))(fm_tables, xt).sum(axis=0)  # [B, 1]
    s = embed_x.sum(axis=0)                   # [B, E]
    sum_square = s ** 2
    square_sum = (embed_x ** 2).sum(axis=0)
    fm_second = 0.5 * (sum_square - square_sum).sum(axis=1, keepdims=True)  # [B, 1]
    # torch.stack(list_of_[B,E], dim=-1) -> [B, E, F]; flatten from dim 1
    dnn_in = jnp.transpose(embed_x, (1, 2, 0)).reshape(embed_x.shape[1], -1)  # [B, E*F]
    # eval-mode: dropout = identity, batchnorm uses running stats
    h = dnn_in @ W1.T + b1
    h = jax.nn.relu(h)
    h = (h - rm1) / jnp.sqrt(rv1 + EPS) * g1 + be1
    h = h @ W2.T + b2
    h = jax.nn.relu(h)
    h = (h - rm2) / jnp.sqrt(rv2 + EPS) * g2 + be2
    out = h @ Wf.T + bf + fm_first + fm_second
    return jax.nn.sigmoid(out)

if __name__ == "__main__":
    import jax
    _d = setup_inputs()
    print(jax.jit(kernel)(*tuple(_d.values())))

</pallas_src>

<mosaic_0001>
#map = affine_map<(d0, d1) -> (0, 0, 0)>
#map1 = affine_map<(d0, d1) -> (0)>
module attributes {stable_mosaic.version = 14 : i64} {
  func.func @_sc_gather_fm_body(%arg0: i32, %arg1: i32, %arg2: memref<32x26x128xi32, #tpu.memory_space<hbm>>, %arg3: memref<32x832x128xi32, #tpu.memory_space<hbm>>, %arg4: memref<83200000xf32, #tpu.memory_space<hbm>>, %arg5: memref<2600000xf32, #tpu.memory_space<hbm>>, %arg6: memref<32x832x128xf32, #tpu.memory_space<hbm>>, %arg7: memref<32x26x128xf32, #tpu.memory_space<hbm>>, %arg8: memref<26x128xi32, #tpu.memory_space<vmem>>, %arg9: memref<416x128xi32, #tpu.memory_space<vmem>>, %arg10: memref<416x128xf32, #tpu.memory_space<vmem>>, %arg11: memref<26x128xf32, #tpu.memory_space<vmem>>, %arg12: memref<!tpu.dma_semaphore, #tpu.memory_space<semaphore_mem>>, %arg13: memref<!tpu.dma_semaphore, #tpu.memory_space<semaphore_mem>>) attributes {dimension_semantics = [#tpu.dimension_semantics<core_parallel>, #tpu.dimension_semantics<subcore_parallel>], iteration_bounds = array<i64: 2, 16>, scalar_prefetch = 0 : i64, scratch_operands = 6 : i64, tpu.core_type = #tpu.core_type<sc_vector_subcore>, window_params = [{transform_indices = #map}, {transform_indices = #map}, {transform_indices = #map1}, {transform_indices = #map1}, {transform_indices = #map}, {transform_indices = #map}]} {
    %mul3A = arith.constant 2 : i32
    %mul3A_0 = arith.muli %arg1, %mul3A : i32
    %add3A = arith.addi %mul3A_0, %arg0 : i32
    "tpu.region"() ({
      %run_scoped3A = tpu.sem_alloc : memref<!tpu.dma_semaphore, #tpu.memory_space<semaphore_mem>>
      %dma_start3A_546 = arith.constant 0 : i32
      %dma_start3A_547 = arith.constant 0 : i32
      %dma_start3A_548 = tpu.memref_slice %arg2[%add3A, %dma_start3A_546, %dma_start3A_547] : memref<32x26x128xi32, #tpu.memory_space<hbm>> -> memref<1x26x128xi32, #tpu.memory_space<hbm>>
      %dma_start3A_549 = tpu.memref_squeeze %dma_start3A_548 : memref<1x26x128xi32, #tpu.memory_space<hbm>> -> memref<26x128xi32, #tpu.memory_space<hbm>>
      %dma_start3A_550 = arith.constant 0 : i32
      %dma_start3A_551 = arith.constant 0 : i32
      %dma_start3A_552 = tpu.memref_slice %arg2[%add3A, %dma_start3A_550, %dma_start3A_551] : memref<32x26x128xi32, #tpu.memory_space<hbm>> -> memref<1x26x128xi32, #tpu.memory_space<hbm>>
      %dma_start3A_553 = tpu.memref_squeeze %dma_start3A_552 : memref<1x26x128xi32, #tpu.memory_space<hbm>> -> memref<26x128xi32, #tpu.memory_space<hbm>>
      tpu.enqueue_dma source(%dma_start3A_553 : memref<26x128xi32, #tpu.memory_space<hbm>>) target(%arg8 : memref<26x128xi32, #tpu.memory_space<vmem>>) target_semaphore(%run_scoped3A : memref<!tpu.dma_semaphore, #tpu.memory_space<semaphore_mem>>)
      %dma_wait3A_554 = arith.constant 0 : i32
      %dma_wait3A_555 = arith.constant 0 : i32
      %dma_wait3A_556 = tpu.memref_slice %arg2[%add3A, %dma_wait3A_554, %dma_wait3A_555] : memref<32x26x128xi32, #tpu.memory_space<hbm>> -> memref<1x26x128xi32, #tpu.memory_space<hbm>>
      %dma_wait3A_557 = tpu.memref_squeeze %dma_wait3A_556 : memref<1x26x128xi32, #tpu.memory_space<hbm>> -> memref<26x128xi32, #tpu.memory_space<hbm>>
      %dma_wait3A_558 = arith.constant 0 : i32
      %dma_wait3A_559 = arith.constant 0 : i32
      %dma_wait3A_560 = tpu.memref_slice %arg2[%add3A, %dma_wait3A_558, %dma_wait3A_559] : memref<32x26x128xi32, #tpu.memory_space<hbm>> -> memref<1x26x128xi32, #tpu.memory_space<hbm>>
      %dma_wait3A_561 = tpu.memref_squeeze %dma_wait3A_560 : memref<1x26x128xi32, #tpu.memory_space<hbm>> -> memref<26x128xi32, #tpu.memory_space<hbm>>
      tpu.wait_dma2 semaphore(%run_scoped3A : memref<!tpu.dma_semaphore, #tpu.memory_space<semaphore_mem>>) src(%dma_wait3A_561 : memref<26x128xi32, #tpu.memory_space<hbm>>) dst(%arg8 : memref<26x128xi32, #tpu.memory_space<vmem>>)
      tpu.yield
    }) : () -> ()
    %dma_start3A = arith.constant 0 : i32
    %dma_start3A_1 = arith.constant 0 : i32
    %dma_start3A_2 = arith.constant 0 : i32
    %dma_start3A_3 = tpu.memref_slice %arg11[%dma_start3A_1, %dma_start3A_2] : memref<26x128xf32, #tpu.memory_space<vmem>> -> memref<1x128xf32, #tpu.memory_space<vmem>>
    %dma_start3A_4 = tpu.memref_squeeze %dma_start3A_3 : memref<1x128xf32, #tpu.memory_space<vmem>> -> memref<128xf32, #tpu.memory_space<vmem>>
    %dma_start3A_5 = arith.constant 0 : i32
    %dma_start3A_6 = tpu.memref_slice %arg8[%dma_start3A, %dma_start3A_5] : memref<26x128xi32, #tpu.memory_space<vmem>> -> memref<1x128xi32, #tpu.memory_space<vmem>>
    %dma_start3A_7 = tpu.memref_squeeze %dma_start3A_6 : memref<1x128xi32, #tpu.memory_space<vmem>> -> memref<128xi32, #tpu.memory_space<vmem>>
    %dma_start3A_8 = arith.constant 0 : i32
    %dma_start3A_9 = tpu.memref_slice %arg5[%dma_start3A_8] : memref<2600000xf32, #tpu.memory_space<hbm>> -> memref<2600000xf32, #tpu.memory_space<hbm>>
    tpu.enqueue_indirect_dma source(%dma_start3A_9 : memref<2600000xf32, #tpu.memory_space<hbm>>) target(%dma_start3A_4 : memref<128xf32, #tpu.memory_space<vmem>>) offsets(%dma_start3A_7 : memref<128xi32, #tpu.memory_space<vmem>>) semaphore(%arg13 : memref<!tpu.dma_semaphore, #tpu.memory_space<semaphore_mem>>)
    %dma_start3A_10 = arith.constant 1 : i32
    %dma_start3A_11 = arith.constant 1 : i32
    %dma_start3A_12 = arith.constant 0 : i32
    %dma_start3A_13 = tpu.memref_slice %arg11[%dma_start3A_11, %dma_start3A_12] : memref<26x128xf32, #tpu.memory_space<vmem>> -> memref<1x128xf32, #tpu.memory_space<vmem>>
    %dma_start3A_14 = tpu.memref_squeeze %dma_start3A_13 : memref<1x128xf32, #tpu.memory_space<vmem>> -> memref<128xf32, #tpu.memory_space<vmem>>
    %dma_start3A_15 = arith.constant 0 : i32
    %dma_start3A_16 = tpu.memref_slice %arg8[%dma_start3A_10, %dma_start3A_15] : memref<26x128xi32, #tpu.memory_space<vmem>> -> memref<1x128xi32, #tpu.memory_space<vmem>>
    %dma_start3A_17 = tpu.memref_squeeze %dma_start3A_16 : memref<1x128xi32, #tpu.memory_space<vmem>> -> memref<128xi32, #tpu.memory_space<vmem>>
    %dma_start3A_18 = arith.constant 0 : i32
    %dma_start3A_19 = tpu.memref_slice %arg5[%dma_start3A_18] : memref<2600000xf32, #tpu.memory_space<hbm>> -> memref<2600000xf32, #tpu.memory_space<hbm>>
    tpu.enqueue_indirect_dma source(%dma_start3A_19 : memref<2600000xf32, #tpu.memory_space<hbm>>) target(%dma_start3A_14 : memref<128xf32, #tpu.memory_space<vmem>>) offsets(%dma_start3A_17 : memref<128xi32, #tpu.memory_space<vmem>>) semaphore(%arg13 : memref<!tpu.dma_semaphore, #tpu.memory_space<semaphore_mem>>)
    %dma_start3A_20 = arith.constant 2 : i32
    %dma_start3A_21 = arith.constant 2 : i32
    %dma_start3A_22 = arith.constant 0 : i32
    %dma_start3A_23 = tpu.memref_slice %arg11[%dma_start3A_21, %dma_start3A_22] : memref<26x128xf32, #tpu.memory_space<vmem>> -> memref<1x128xf32, #tpu.memory_space<vmem>>
    %dma_start3A_24 = tpu.memref_squeeze %dma_start3A_23 : memref<1x128xf32, #tpu.memory_space<vmem>> -> memref<128xf32, #tpu.memory_space<vmem>>
    %dma_start3A_25 = arith.constant 0 : i32
    %dma_start3A_26 = tpu.memref_slice %arg8[%dma_start3A_20, %dma_start3A_25] : memref<26x128xi32, #tpu.memory_space<vmem>> -> memref<1x128xi32, #tpu.memory_space<vmem>>
    %dma_start3A_27 = tpu.memref_squeeze %dma_start3A_26 : memref<1x128xi32, #tpu.memory_space<vmem>> -> memref<128xi32, #tpu.memory_space<vmem>>
    %dma_start3A_28 = arith.constant 0 : i32
    %dma_start3A_29 = tpu.memref_slice %arg5[%dma_start3A_28] : memref<2600000xf32, #tpu.memory_space<hbm>> -> memref<2600000xf32, #tpu.memory_space<hbm>>
    tpu.enqueue_indirect_dma source(%dma_start3A_29 : memref<2600000xf32, #tpu.memory_space<hbm>>) target(%dma_start3A_24 : memref<128xf32, #tpu.memory_space<vmem>>) offsets(%dma_start3A_27 : memref<128xi32, #tpu.memory_space<vmem>>) semaphore(%arg13 : memref<!tpu.dma_semaphore, #tpu.memory_space<semaphore_mem>>)
    %dma_start3A_30 = arith.constant 3 : i32
    %dma_start3A_31 = arith.constant 3 : i32
    %dma_start3A_32 = arith.constant 0 : i32
    %dma_start3A_33 = tpu.memref_slice %arg11[%dma_start3A_31, %dma_start3A_32] : memref<26x128xf32, #tpu.memory_space<vmem>> -> memref<1x128xf32, #tpu.memory_space<vmem>>
    %dma_start3A_34 = tpu.memref_squeeze %dma_start3A_33 : memref<1x128xf32, #tpu.memory_space<vmem>> -> memref<128xf32, #tpu.memory_space<vmem>>
    %dma_start3A_35 = arith.constant 0 : i32
    %dma_start3A_36 = tpu.memref_slice %arg8[%dma_start3A_30, %dma_start3A_35] : memref<26x128xi32, #tpu.memory_space<vmem>> -> memref<1x128xi32, #tpu.memory_space<vmem>>
    %dma_start3A_37 = tpu.memref_squeeze %dma_start3A_36 : memref<1x128xi32, #tpu.memory_space<vmem>> -> memref<128xi32, #tpu.memory_space<vmem>>
    %dma_start3A_38 = arith.constant 0 : i32
    %dma_start3A_39 = tpu.memref_slice %arg5[%dma_start3A_38] : memref<2600000xf32, #tpu.memory_space<hbm>> -> memref<2600000xf32, #tpu.memory_space<hbm>>
    tpu.enqueue_indirect_dma source(%dma_start3A_39 : memref<2600000xf32, #tpu.memory_space<hbm>>) target(%dma_start3A_34 : memref<128xf32, #tpu.memory_space<vmem>>) offsets(%dma_start3A_37 : memref<128xi32, #tpu.memory_space<vmem>>) semaphore(%arg13 : memref<!tpu.dma_semaphore, #tpu.memory_space<semaphore_mem>>)
    %dma_start3A_40 = arith.constant 4 : i32
    %dma_start3A_41 = arith.constant 4 : i32
    %dma_start3A_42 = arith.constant 0 : i32
    %dma_start3A_43 = tpu.memref_slice %arg11[%dma_start3A_41, %dma_start3A_42] : memref<26x128xf32, #tpu.memory_space<vmem>> -> memref<1x128xf32, #tpu.memory_space<vmem>>
    %dma_start3A_44 = tpu.memref_squeeze %dma_start3A_43 : memref<1x128xf32, #tpu.memory_space<vmem>> -> memref<128xf32, #tpu.memory_space<vmem>>
    %dma_start3A_45 = arith.constant 0 : i32
    %dma_start3A_46 = tpu.memref_slice %arg8[%dma_start3A_40, %dma_start3A_45] : memref<26x128xi32, #tpu.memory_space<vmem>> -> memref<1x128xi32, #tpu.memory_space<vmem>>
    %dma_start3A_47 = tpu.memref_squeeze %dma_start3A_46 : memref<1x128xi32, #tpu.memory_space<vmem>> -> memref<128xi32, #tpu.memory_space<vmem>>
    %dma_start3A_48 = arith.constant 0 : i32
    %dma_start3A_49 = tpu.memref_slice %arg5[%dma_start3A_48] : memref<2600000xf32, #tpu.memory_space<hbm>> -> memref<2600000xf32, #tpu.memory_space<hbm>>
    tpu.enqueue_indirect_dma source(%dma_start3A_49 : memref<2600000xf32, #tpu.memory_space<hbm>>) target(%dma_start3A_44 : memref<128xf32, #tpu.memory_space<vmem>>) offsets(%dma_start3A_47 : memref<128xi32, #tpu.memory_space<vmem>>) semaphore(%arg13 : memref<!tpu.dma_semaphore, #tpu.memory_space<semaphore_mem>>)
    %dma_start3A_50 = arith.constant 5 : i32
    %dma_start3A_51 = arith.constant 5 : i32
    %dma_start3A_52 = arith.constant 0 : i32
    %dma_start3A_53 = tpu.memref_slice %arg11[%dma_start3A_51, %dma_start3A_52] : memref<26x128xf32, #tpu.memory_space<vmem>> -> memref<1x128xf32, #tpu.memory_space<vmem>>
    %dma_start3A_54 = tpu.memref_squeeze %dma_start3A_53 : memref<1x128xf32, #tpu.memory_space<vmem>> -> memref<128xf32, #tpu.memory_space<vmem>>
    %dma_start3A_55 = arith.constant 0 : i32
    %dma_start3A_56 = tpu.memref_slice %arg8[%dma_start3A_50, %dma_start3A_55] : memref<26x128xi32, #tpu.memory_space<vmem>> -> memref<1x128xi32, #tpu.memory_space<vmem>>
    %dma_start3A_57 = tpu.memref_squeeze %dma_start3A_56 : memref<1x128xi32, #tpu.memory_space<vmem>> -> memref<128xi32, #tpu.memory_space<vmem>>
    %dma_start3A_58 = arith.constant 0 : i32
    %dma_start3A_59 = tpu.memref_slice %arg5[%dma_start3A_58] : memref<2600000xf32, #tpu.memory_space<hbm>> -> memref<2600000xf32, #tpu.memory_space<hbm>>
    tpu.enqueue_indirect_dma source(%dma_start3A_59 : memref<2600000xf32, #tpu.memory_space<hbm>>) target(%dma_start3A_54 : memref<128xf32, #tpu.memory_space<vmem>>) offsets(%dma_start3A_57 : memref<128xi32, #tpu.memory_space<vmem>>) semaphore(%arg13 : memref<!tpu.dma_semaphore, #tpu.memory_space<semaphore_mem>>)
    %dma_start3A_60 = arith.constant 6 : i32
    %dma_start3A_61 = arith.constant 6 : i32
    %dma_start3A_62 = arith.constant 0 : i32
    %dma_start3A_63 = tpu.memref_slice %arg11[%dma_start3A_61, %dma_start3A_62] : memref<26x128xf32, #tpu.memory_space<vmem>> -> memref<1x128xf32, #tpu.memory_space<vmem>>
    %dma_start3A_64 = tpu.memref_squeeze %dma_start3A_63 : memref<1x128xf32, #tpu.memory_space<vmem>> -> memref<128xf32, #tpu.memory_space<vmem>>
    %dma_start3A_65 = arith.constant 0 : i32
    %dma_start3A_66 = tpu.memref_slice %arg8[%dma_start3A_60, %dma_start3A_65] : memref<26x128xi32, #tpu.memory_space<vmem>> -> memref<1x128xi32, #tpu.memory_space<vmem>>
    %dma_start3A_67 = tpu.memref_squeeze %dma_start3A_66 : memref<1x128xi32, #tpu.memory_space<vmem>> -> memref<128xi32, #tpu.memory_space<vmem>>
    %dma_start3A_68 = arith.constant 0 : i32
    %dma_start3A_69 = tpu.memref_slice %arg5[%dma_start3A_68] : memref<2600000xf32, #tpu.memory_space<hbm>> -> memref<2600000xf32, #tpu.memory_space<hbm>>
    tpu.enqueue_indirect_dma source(%dma_start3A_69 : memref<2600000xf32, #tpu.memory_space<hbm>>) target(%dma_start3A_64 : memref<128xf32, #tpu.memory_space<vmem>>) offsets(%dma_start3A_67 : memref<128xi32, #tpu.memory_space<vmem>>) semaphore(%arg13 : memref<!tpu.dma_semaphore, #tpu.memory_space<semaphore_mem>>)
    %dma_start3A_70 = arith.constant 7 : i32
    %dma_start3A_71 = arith.constant 7 : i32
    %dma_start3A_72 = arith.constant 0 : i32
    %dma_start3A_73 = tpu.memref_slice %arg11[%dma_start3A_71, %dma_start3A_72] : memref<26x128xf32, #tpu.memory_space<vmem>> -> memref<1x128xf32, #tpu.memory_space<vmem>>
    %dma_start3A_74 = tpu.memref_squeeze %dma_start3A_73 : memref<1x128xf32, #tpu.memory_space<vmem>> -> memref<128xf32, #tpu.memory_space<vmem>>
    %dma_start3A_75 = arith.constant 0 : i32
    %dma_start3A_76 = tpu.memref_slice %arg8[%dma_start3A_70, %dma_start3A_75] : memref<26x128xi32, #tpu.memory_space<vmem>> -> memref<1x128xi32, #tpu.memory_space<vmem>>
    %dma_start3A_77 = tpu.memref_squeeze %dma_start3A_76 : memref<1x128xi32, #tpu.memory_space<vmem>> -> memref<128xi32, #tpu.memory_space<vmem>>
    %dma_start3A_78 = arith.constant 0 : i32
    %dma_start3A_79 = tpu.memref_slice %arg5[%dma_start3A_78] : memref<2600000xf32, #tpu.memory_space<hbm>> -> memref<2600000xf32, #tpu.memory_space<hbm>>
    tpu.enqueue_indirect_dma source(%dma_start3A_79 : memref<2600000xf32, #tpu.memory_space<hbm>>) target(%dma_start3A_74 : memref<128xf32, #tpu.memory_space<vmem>>) offsets(%dma_start3A_77 : memref<128xi32, #tpu.memory_space<vmem>>) semaphore(%arg13 : memref<!tpu.dma_semaphore, #tpu.memory_space<semaphore_mem>>)
    %dma_start3A_80 = arith.constant 8 : i32
    %dma_start3A_81 = arith.constant 8 : i32
    %dma_start3A_82 = arith.constant 0 : i32
    %dma_start3A_83 = tpu.memref_slice %arg11[%dma_start3A_81, %dma_start3A_82] : memref<26x128xf32, #tpu.memory_space<vmem>> -> memref<1x128xf32, #tpu.memory_space<vmem>>
    %dma_start3A_84 = tpu.memref_squeeze %dma_start3A_83 : memref<1x128xf32, #tpu.memory_space<vmem>> -> memref<128xf32, #tpu.memory_space<vmem>>
    %dma_start3A_85 = arith.constant 0 : i32
    %dma_start3A_86 = tpu.memref_slice %arg8[%dma_start3A_80, %dma_start3A_85] : memref<26x128xi32, #tpu.memory_space<vmem>> -> memref<1x128xi32, #tpu.memory_space<vmem>>
    %dma_start3A_87 = tpu.memref_squeeze %dma_start3A_86 : memref<1x128xi32, #tpu.memory_space<vmem>> -> memref<128xi32, #tpu.memory_space<vmem>>
    %dma_start3A_88 = arith.constant 0 : i32
    %dma_start3A_89 = tpu.memref_slice %arg5[%dma_start3A_88] : memref<2600000xf32, #tpu.memory_space<hbm>> -> memref<2600000xf32, #tpu.memory_space<hbm>>
    tpu.enqueue_indirect_dma source(%dma_start3A_89 : memref<2600000xf32, #tpu.memory_space<hbm>>) target(%dma_start3A_84 : memref<128xf32, #tpu.memory_space<vmem>>) offsets(%dma_start3A_87 : memref<128xi32, #tpu.memory_space<vmem>>) semaphore(%arg13 : memref<!tpu.dma_semaphore, #tpu.memory_space<semaphore_mem>>)
    %dma_start3A_90 = arith.constant 9 : i32
    %dma_start3A_91 = arith.constant 9 : i32
    %dma_start3A_92 = arith.constant 0 : i32
    %dma_start3A_93 = tpu.memref_slice %arg11[%dma_start3A_91, %dma_start3A_92] : memref<26x128xf32, #tpu.memory_space<vmem>> -> memref<1x128xf32, #tpu.memory_space<vmem>>
    %dma_start3A_94 = tpu.memref_squeeze %dma_start3A_93 : memref<1x128xf32, #tpu.memory_space<vmem>> -> memref<128xf32, #tpu.memory_space<vmem>>
    %dma_start3A_95 = arith.constant 0 : i32
    %dma_start3A_96 = tpu.memref_slice %arg8[%dma_start3A_90, %dma_start3A_95] : memref<26x128xi32, #tpu.memory_space<vmem>> -> memref<1x128xi32, #tpu.memory_space<vmem>>
    %dma_start3A_97 = tpu.memref_squeeze %dma_start3A_96 : memref<1x128xi32, #tpu.memory_space<vmem>> -> memref<128xi32, #tpu.memory_space<vmem>>
    %dma_start3A_98 = arith.constant 0 : i32
    %dma_start3A_99 = tpu.memref_slice %arg5[%dma_start3A_98] : memref<2600000xf32, #tpu.memory_space<hbm>> -> memref<2600000xf32, #tpu.memory_space<hbm>>
    tpu.enqueue_indirect_dma source(%dma_start3A_99 : memref<2600000xf32, #tpu.memory_space<hbm>>) target(%dma_start3A_94 : memref<128xf32, #tpu.memory_space<vmem>>) offsets(%dma_start3A_97 : memref<128xi32, #tpu.memory_space<vmem>>) semaphore(%arg13 : memref<!tpu.dma_semaphore, #tpu.memory_space<semaphore_mem>>)
    %dma_start3A_100 = arith.constant 10 : i32
    %dma_start3A_101 = arith.constant 10 : i32
    %dma_start3A_102 = arith.constant 0 : i32
    %dma_start3A_103 = tpu.memref_slice %arg11[%dma_start3A_101, %dma_start3A_102] : memref<26x128xf32, #tpu.memory_space<vmem>> -> memref<1x128xf32, #tpu.memory_space<vmem>>
    %dma_start3A_104 = tpu.memref_squeeze %dma_start3A_103 : memref<1x128xf32, #tpu.memory_space<vmem>> -> memref<128xf32, #tpu.memory_space<vmem>>
    %dma_start3A_105 = arith.constant 0 : i32
    %dma_start3A_106 = tpu.memref_slice %arg8[%dma_start3A_100, %dma_start3A_105] : memref<26x128xi32, #tpu.memory_space<vmem>> -> memref<1x128xi32, #tpu.memory_space<vmem>>
    %dma_start3A_107 = tpu.memref_squeeze %dma_start3A_106 : memref<1x128xi32, #tpu.memory_space<vmem>> -> memref<128xi32, #tpu.memory_space<vmem>>
    %dma_start3A_108 = arith.constant 0 : i32
    %dma_start3A_109 = tpu.memref_slice %arg5[%dma_start3A_108] : memref<2600000xf32, #tpu.memory_space<hbm>> -> memref<2600000xf32, #tpu.memory_space<hbm>>
    tpu.enqueue_indirect_dma source(%dma_start3A_109 : memref<2600000xf32, #tpu.memory_space<hbm>>) target(%dma_start3A_104 : memref<128xf32, #tpu.memory_space<vmem>>) offsets(%dma_start3A_107 : memref<128xi32, #tpu.memory_space<vmem>>) semaphore(%arg13 : memref<!tpu.dma_semaphore, #tpu.memory_space<semaphore_mem>>)
    %dma_start3A_110 = arith.constant 11 : i32
    %dma_start3A_111 = arith.constant 11 : i32
    %dma_start3A_112 = arith.constant 0 : i32
    %dma_start3A_113 = tpu.memref_slice %arg11[%dma_start3A_111, %dma_start3A_112] : memref<26x128xf32, #tpu.memory_space<vmem>> -> memref<1x128xf32, #tpu.memory_space<vmem>>
    %dma_start3A_114 = tpu.memref_squeeze %dma_start3A_113 : memref<1x128xf32, #tpu.memory_space<vmem>> -> memref<128xf32, #tpu.memory_space<vmem>>
    %dma_start3A_115 = arith.constant 0 : i32
    %dma_start3A_116 = tpu.memref_slice %arg8[%dma_start3A_110, %dma_start3A_115] : memref<26x128xi32, #tpu.memory_space<vmem>> -> memref<1x128xi32, #tpu.memory_space<vmem>>
    %dma_start3A_117 = tpu.memref_squeeze %dma_start3A_116 : memref<1x128xi32, #tpu.memory_space<vmem>> -> memref<128xi32, #tpu.memory_space<vmem>>
    %dma_start3A_118 = arith.constant 0 : i32
    %dma_start3A_119 = tpu.memref_slice %arg5[%dma_start3A_118] : memref<2600000xf32, #tpu.memory_space<hbm>> -> memref<2600000xf32, #tpu.memory_space<hbm>>
    tpu.enqueue_indirect_dma source(%dma_start3A_119 : memref<2600000xf32, #tpu.memory_space<hbm>>) target(%dma_start3A_114 : memref<128xf32, #tpu.memory_space<vmem>>) offsets(%dma_start3A_117 : memref<128xi32, #tpu.memory_space<vmem>>) semaphore(%arg13 : memref<!tpu.dma_semaphore, #tpu.memory_space<semaphore_mem>>)
    %dma_start3A_120 = arith.constant 12 : i32
    %dma_start3A_121 = arith.constant 12 : i32
    %dma_start3A_122 = arith.constant 0 : i32
    %dma_start3A_123 = tpu.memref_slice %arg11[%dma_start3A_121, %dma_start3A_122] : memref<26x128xf32, #tpu.memory_space<vmem>> -> memref<1x128xf32, #tpu.memory_space<vmem>>
    %dma_start3A_124 = tpu.memref_squeeze %dma_start3A_123 : memref<1x128xf32, #tpu.memory_space<vmem>> -> memref<128xf32, #tpu.memory_space<vmem>>
    %dma_start3A_125 = arith.constant 0 : i32
    %dma_start3A_126 = tpu.memref_slice %arg8[%dma_start3A_120, %dma_start3A_125] : memref<26x128xi32, #tpu.memory_space<vmem>> -> memref<1x128xi32, #tpu.memory_space<vmem>>
    %dma_start3A_127 = tpu.memref_squeeze %dma_start3A_126 : memref<1x128xi32, #tpu.memory_space<vmem>> -> memref<128xi32, #tpu.memory_space<vmem>>
    %dma_start3A_128 = arith.constant 0 : i32
    %dma_start3A_129 = tpu.memref_slice %arg5[%dma_start3A_128] : memref<2600000xf32, #tpu.memory_space<hbm>> -> memref<2600000xf32, #tpu.memory_space<hbm>>
    tpu.enqueue_indirect_dma source(%dma_start3A_129 : memref<2600000xf32, #tpu.memory_space<hbm>>) target(%dma_start3A_124 : memref<128xf32, #tpu.memory_space<vmem>>) offsets(%dma_start3A_127 : memref<128xi32, #tpu.memory_space<vmem>>) semaphore(%arg13 : memref<!tpu.dma_semaphore, #tpu.memory_space<semaphore_mem>>)
    %dma_start3A_130 = arith.constant 13 : i32
    %dma_start3A_131 = arith.constant 13 : i32
    %dma_start3A_132 = arith.constant 0 : i32
    %dma_start3A_133 = tpu.memref_slice %arg11[%dma_start3A_131, %dma_start3A_132] : memref<26x128xf32, #tpu.memory_space<vmem>> -> memref<1x128xf32, #tpu.memory_space<vmem>>
    %dma_start3A_134 = tpu.memref_squeeze %dma_start3A_133 : memref<1x128xf32, #tpu.memory_space<vmem>> -> memref<128xf32, #tpu.memory_space<vmem>>
    %dma_start3A_135 = arith.constant 0 : i32
    %dma_start3A_136 = tpu.memref_slice %arg8[%dma_start3A_130, %dma_start3A_135] : memref<26x128xi32, #tpu.memory_space<vmem>> -> memref<1x128xi32, #tpu.memory_space<vmem>>
    %dma_start3A_137 = tpu.memref_squeeze %dma_start3A_136 : memref<1x128xi32, #tpu.memory_space<vmem>> -> memref<128xi32, #tpu.memory_space<vmem>>
    %dma_start3A_138 = arith.constant 0 : i32
    %dma_start3A_139 = tpu.memref_slice %arg5[%dma_start3A_138] : memref<2600000xf32, #tpu.memory_space<hbm>> -> memref<2600000xf32, #tpu.memory_space<hbm>>
    tpu.enqueue_indirect_dma source(%dma_start3A_139 : memref<2600000xf32, #tpu.memory_space<hbm>>) target(%dma_start3A_134 : memref<128xf32, #tpu.memory_space<vmem>>) offsets(%dma_start3A_137 : memref<128xi32, #tpu.memory_space<vmem>>) semaphore(%arg13 : memref<!tpu.dma_semaphore, #tpu.memory_space<semaphore_mem>>)
    %dma_start3A_140 = arith.constant 14 : i32
    %dma_start3A_141 = arith.constant 14 : i32
    %dma_start3A_142 = arith.constant 0 : i32
    %dma_start3A_143 = tpu.memref_slice %arg11[%dma_start3A_141, %dma_start3A_142] : memref<26x128xf32, #tpu.memory_space<vmem>> -> memref<1x128xf32, #tpu.memory_space<vmem>>
    %dma_start3A_144 = tpu.memref_squeeze %dma_start3A_143 : memref<1x128xf32, #tpu.memory_space<vmem>> -> memref<128xf32, #tpu.memory_space<vmem>>
    %dma_start3A_145 = arith.constant 0 : i32
    %dma_start3A_146 = tpu.memref_slice %arg8[%dma_start3A_140, %dma_start3A_145] : memref<26x128xi32, #tpu.memory_space<vmem>> -> memref<1x128xi32, #tpu.memory_space<vmem>>
    %dma_start3A_147 = tpu.memref_squeeze %dma_start3A_146 : memref<1x128xi32, #tpu.memory_space<vmem>> -> memref<128xi32, #tpu.memory_space<vmem>>
    %dma_start3A_148 = arith.constant 0 : i32
    %dma_start3A_149 = tpu.memref_slice %arg5[%dma_start3A_148] : memref<2600000xf32, #tpu.memory_space<hbm>> -> memref<2600000xf32, #tpu.memory_space<hbm>>
    tpu.enqueue_indirect_dma source(%dma_start3A_149 : memref<2600000xf32, #tpu.memory_space<hbm>>) target(%dma_start3A_144 : memref<128xf32, #tpu.memory_space<vmem>>) offsets(%dma_start3A_147 : memref<128xi32, #tpu.memory_space<vmem>>) semaphore(%arg13 : memref<!tpu.dma_semaphore, #tpu.memory_space<semaphore_mem>>)
    %dma_start3A_150 = arith.constant 15 : i32
    %dma_start3A_151 = arith.constant 15 : i32
    %dma_start3A_152 = arith.constant 0 : i32
    %dma_start3A_153 = tpu.memref_slice %arg11[%dma_start3A_151, %dma_start3A_152] : memref<26x128xf32, #tpu.memory_space<vmem>> -> memref<1x128xf32, #tpu.memory_space<vmem>>
    %dma_start3A_154 = tpu.memref_squeeze %dma_start3A_153 : memref<1x128xf32, #tpu.memory_space<vmem>> -> memref<128xf32, #tpu.memory_space<vmem>>
    %dma_start3A_155 = arith.constant 0 : i32
    %dma_start3A_156 = tpu.memref_slice %arg8[%dma_start3A_150, %dma_start3A_155] : memref<26x128xi32, #tpu.memory_space<vmem>> -> memref<1x128xi32, #tpu.memory_space<vmem>>
    %dma_start3A_157 = tpu.memref_squeeze %dma_start3A_156 : memref<1x128xi32, #tpu.memory_space<vmem>> -> memref<128xi32, #tpu.memory_space<vmem>>
    %dma_start3A_158 = arith.constant 0 : i32
    %dma_start3A_159 = tpu.memref_slice %arg5[%dma_start3A_158] : memref<2600000xf32, #tpu.memory_space<hbm>> -> memref<2600000xf32, #tpu.memory_space<hbm>>
    tpu.enqueue_indirect_dma source(%dma_start3A_159 : memref<2600000xf32, #tpu.memory_space<hbm>>) target(%dma_start3A_154 : memref<128xf32, #tpu.memory_space<vmem>>) offsets(%dma_start3A_157 : memref<128xi32, #tpu.memory_space<vmem>>) semaphore(%arg13 : memref<!tpu.dma_semaphore, #tpu.memory_space<semaphore_mem>>)
    %dma_start3A_160 = arith.constant 16 : i32
    %dma_start3A_161 = arith.constant 16 : i32
    %dma_start3A_162 = arith.constant 0 : i32
    %dma_start3A_163 = tpu.memref_slice %arg11[%dma_start3A_161, %dma_start3A_162] : memref<26x128xf32, #tpu.memory_space<vmem>> -> memref<1x128xf32, #tpu.memory_space<vmem>>
    %dma_start3A_164 = tpu.memref_squeeze %dma_start3A_163 : memref<1x128xf32, #tpu.memory_space<vmem>> -> memref<128xf32, #tpu.memory_space<vmem>>
    %dma_start3A_165 = arith.constant 0 : i32
    %dma_start3A_166 = tpu.memref_slice %arg8[%dma_start3A_160, %dma_start3A_165] : memref<26x128xi32, #tpu.memory_space<vmem>> -> memref<1x128xi32, #tpu.memory_space<vmem>>
    %dma_start3A_167 = tpu.memref_squeeze %dma_start3A_166 : memref<1x128xi32, #tpu.memory_space<vmem>> -> memref<128xi32, #tpu.memory_space<vmem>>
    %dma_start3A_168 = arith.constant 0 : i32
    %dma_start3A_169 = tpu.memref_slice %arg5[%dma_start3A_168] : memref<2600000xf32, #tpu.memory_space<hbm>> -> memref<2600000xf32, #tpu.memory_space<hbm>>
    tpu.enqueue_indirect_dma source(%dma_start3A_169 : memref<2600000xf32, #tpu.memory_space<hbm>>) target(%dma_start3A_164 : memref<128xf32, #tpu.memory_space<vmem>>) offsets(%dma_start3A_167 : memref<128xi32, #tpu.memory_space<vmem>>) semaphore(%arg13 : memref<!tpu.dma_semaphore, #tpu.memory_space<semaphore_mem>>)
    %dma_start3A_170 = arith.constant 17 : i32
    %dma_start3A_171 = arith.constant 17 : i32
    %dma_start3A_172 = arith.constant 0 : i32
    %dma_start3A_173 = tpu.memref_slice %arg11[%dma_start3A_171, %dma_start3A_172] : memref<26x128xf32, #tpu.memory_space<vmem>> -> memref<1x128xf32, #tpu.memory_space<vmem>>
    %dma_start3A_174 = tpu.memref_squeeze %dma_start3A_173 : memref<1x128xf32, #tpu.memory_space<vmem>> -> memref<128xf32, #tpu.memory_space<vmem>>
    %dma_start3A_175 = arith.constant 0 : i32
    %dma_start3A_176 = tpu.memref_slice %arg8[%dma_start3A_170, %dma_start3A_175] : memref<26x128xi32, #tpu.memory_space<vmem>> -> memref<1x128xi32, #tpu.memory_space<vmem>>
    %dma_start3A_177 = tpu.memref_squeeze %dma_start3A_176 : memref<1x128xi32, #tpu.memory_space<vmem>> -> memref<128xi32, #tpu.memory_space<vmem>>
    %dma_start3A_178 = arith.constant 0 : i32
    %dma_start3A_179 = tpu.memref_slice %arg5[%dma_start3A_178] : memref<2600000xf32, #tpu.memory_space<hbm>> -> memref<2600000xf32, #tpu.memory_space<hbm>>
    tpu.enqueue_indirect_dma source(%dma_start3A_179 : memref<2600000xf32, #tpu.memory_space<hbm>>) target(%dma_start3A_174 : memref<128xf32, #tpu.memory_space<vmem>>) offsets(%dma_start3A_177 : memref<128xi32, #tpu.memory_space<vmem>>) semaphore(%arg13 : memref<!tpu.dma_semaphore, #tpu.memory_space<semaphore_mem>>)
    %dma_start3A_180 = arith.constant 18 : i32
    %dma_start3A_181 = arith.constant 18 : i32
    %dma_start3A_182 = arith.constant 0 : i32
    %dma_start3A_183 = tpu.memref_slice %arg11[%dma_start3A_181, %dma_start3A_182] : memref<26x128xf32, #tpu.memory_space<vmem>> -> memref<1x128xf32, #tpu.memory_space<vmem>>
    %dma_start3A_184 = tpu.memref_squeeze %dma_start3A_183 : memref<1x128xf32, #tpu.memory_space<vmem>> -> memref<128xf32, #tpu.memory_space<vmem>>
    %dma_start3A_185 = arith.constant 0 : i32
    %dma_start3A_186 = tpu.memref_slice %arg8[%dma_start3A_180, %dma_start3A_185] : memref<26x128xi32, #tpu.memory_space<vmem>> -> memref<1x128xi32, #tpu.memory_space<vmem>>
    %dma_start3A_187 = tpu.memref_squeeze %dma_start3A_186 : memref<1x128xi32, #tpu.memory_space<vmem>> -> memref<128xi32, #tpu.memory_space<vmem>>
    %dma_start3A_188 = arith.constant 0 : i32
    %dma_start3A_189 = tpu.memref_slice %arg5[%dma_start3A_188] : memref<2600000xf32, #tpu.memory_space<hbm>> -> memref<2600000xf32, #tpu.memory_space<hbm>>
    tpu.enqueue_indirect_dma source(%dma_start3A_189 : memref<2600000xf32, #tpu.memory_space<hbm>>) target(%dma_start3A_184 : memref<128xf32, #tpu.memory_space<vmem>>) offsets(%dma_start3A_187 : memref<128xi32, #tpu.memory_space<vmem>>) semaphore(%arg13 : memref<!tpu.dma_semaphore, #tpu.memory_space<semaphore_mem>>)
    %dma_start3A_190 = arith.constant 19 : i32
    %dma_start3A_191 = arith.constant 19 : i32
    %dma_start3A_192 = arith.constant 0 : i32
    %dma_start3A_193 = tpu.memref_slice %arg11[%dma_start3A_191, %dma_start3A_192] : memref<26x128xf32, #tpu.memory_space<vmem>> -> memref<1x128xf32, #tpu.memory_space<vmem>>
    %dma_start3A_194 = tpu.memref_squeeze %dma_start3A_193 : memref<1x128xf32, #tpu.memory_space<vmem>> -> memref<128xf32, #tpu.memory_space<vmem>>
    %dma_start3A_195 = arith.constant 0 : i32
    %dma_start3A_196 = tpu.memref_slice %arg8[%dma_start3A_190, %dma_start3A_195] : memref<26x128xi32, #tpu.memory_space<vmem>> -> memref<1x128xi32, #tpu.memory_space<vmem>>
    %dma_start3A_197 = tpu.memref_squeeze %dma_start3A_196 : memref<1x128xi32, #tpu.memory_space<vmem>> -> memref<128xi32, #tpu.memory_space<vmem>>
    %dma_start3A_198 = arith.constant 0 : i32
    %dma_start3A_199 = tpu.memref_slice %arg5[%dma_start3A_198] : memref<2600000xf32, #tpu.memory_space<hbm>> -> memref<2600000xf32, #tpu.memory_space<hbm>>
    tpu.enqueue_indirect_dma source(%dma_start3A_199 : memref<2600000xf32, #tpu.memory_space<hbm>>) target(%dma_start3A_194 : memref<128xf32, #tpu.memory_space<vmem>>) offsets(%dma_start3A_197 : memref<128xi32, #tpu.memory_space<vmem>>) semaphore(%arg13 : memref<!tpu.dma_semaphore, #tpu.memory_space<semaphore_mem>>)
    %dma_start3A_200 = arith.constant 20 : i32
    %dma_start3A_201 = arith.constant 20 : i32
    %dma_start3A_202 = arith.constant 0 : i32
    %dma_start3A_203 = tpu.memref_slice %arg11[%dma_start3A_201, %dma_start3A_202] : memref<26x128xf32, #tpu.memory_space<vmem>> -> memref<1x128xf32, #tpu.memory_space<vmem>>
    %dma_start3A_204 = tpu.memref_squeeze %dma_start3A_203 : memref<1x128xf32, #tpu.memory_space<vmem>> -> memref<128xf32, #tpu.memory_space<vmem>>
    %dma_start3A_205 = arith.constant 0 : i32
    %dma_start3A_206 = tpu.memref_slice %arg8[%dma_start3A_200, %dma_start3A_205] : memref<26x128xi32, #tpu.memory_space<vmem>> -> memref<1x128xi32, #tpu.memory_space<vmem>>
    %dma_start3A_207 = tpu.memref_squeeze %dma_start3A_206 : memref<1x128xi32, #tpu.memory_space<vmem>> -> memref<128xi32, #tpu.memory_space<vmem>>
    %dma_start3A_208 = arith.constant 0 : i32
    %dma_start3A_209 = tpu.memref_slice %arg5[%dma_start3A_208] : memref<2600000xf32, #tpu.memory_space<hbm>> -> memref<2600000xf32, #tpu.memory_space<hbm>>
    tpu.enqueue_indirect_dma source(%dma_start3A_209 : memref<2600000xf32, #tpu.memory_space<hbm>>) target(%dma_start3A_204 : memref<128xf32, #tpu.memory_space<vmem>>) offsets(%dma_start3A_207 : memref<128xi32, #tpu.memory_space<vmem>>) semaphore(%arg13 : memref<!tpu.dma_semaphore, #tpu.memory_space<semaphore_mem>>)
    %dma_start3A_210 = arith.constant 21 : i32
    %dma_start3A_211 = arith.constant 21 : i32
    %dma_start3A_212 = arith.constant 0 : i32
    %dma_start3A_213 = tpu.memref_slice %arg11[%dma_start3A_211, %dma_start3A_212] : memref<26x128xf32, #tpu.memory_space<vmem>> -> memref<1x128xf32, #tpu.memory_space<vmem>>
    %dma_start3A_214 = tpu.memref_squeeze %dma_start3A_213 : memref<1x128xf32, #tpu.memory_space<vmem>> -> memref<128xf32, #tpu.memory_space<vmem>>
    %dma_start3A_215 = arith.constant 0 : i32
    %dma_start3A_216 = tpu.memref_slice %arg8[%dma_start3A_210, %dma_start3A_215] : memref<26x128xi32, #tpu.memory_space<vmem>> -> memref<1x128xi32, #tpu.memory_space<vmem>>
    %dma_start3A_217 = tpu.memref_squeeze %dma_start3A_216 : memref<1x128xi32, #tpu.memory_space<vmem>> -> memref<128xi32, #tpu.memory_space<vmem>>
    %dma_start3A_218 = arith.constant 0 : i32
    %dma_start3A_219 = tpu.memref_slice %arg5[%dma_start3A_218] : memref<2600000xf32, #tpu.memory_space<hbm>> -> memref<2600000xf32, #tpu.memory_space<hbm>>
    tpu.enqueue_indirect_dma source(%dma_start3A_219 : memref<2600000xf32, #tpu.memory_space<hbm>>) target(%dma_start3A_214 : memref<128xf32, #tpu.memory_space<vmem>>) offsets(%dma_start3A_217 : memref<128xi32, #tpu.memory_space<vmem>>) semaphore(%arg13 : memref<!tpu.dma_semaphore, #tpu.memory_space<semaphore_mem>>)
    %dma_start3A_220 = arith.constant 22 : i32
    %dma_start3A_221 = arith.constant 22 : i32
    %dma_start3A_222 = arith.constant 0 : i32
    %dma_start3A_223 = tpu.memref_slice %arg11[%dma_start3A_221, %dma_start3A_222] : memref<26x128xf32, #tpu.memory_space<vmem>> -> memref<1x128xf32, #tpu.memory_space<vmem>>
    %dma_start3A_224 = tpu.memref_squeeze %dma_start3A_223 : memref<1x128xf32, #tpu.memory_space<vmem>> -> memref<128xf32, #tpu.memory_space<vmem>>
    %dma_start3A_225 = arith.constant 0 : i32
    %dma_start3A_226 = tpu.memref_slice %arg8[%dma_start3A_220, %dma_start3A_225] : memref<26x128xi32, #tpu.memory_space<vmem>> -> memref<1x128xi32, #tpu.memory_space<vmem>>
    %dma_start3A_227 = tpu.memref_squeeze %dma_start3A_226 : memref<1x128xi32, #tpu.memory_space<vmem>> -> memref<128xi32, #tpu.memory_space<vmem>>
    %dma_start3A_228 = arith.constant 0 : i32
    %dma_start3A_229 = tpu.memref_slice %arg5[%dma_start3A_228] : memref<2600000xf32, #tpu.memory_space<hbm>> -> memref<2600000xf32, #tpu.memory_space<hbm>>
    tpu.enqueue_indirect_dma source(%dma_start3A_229 : memref<2600000xf32, #tpu.memory_space<hbm>>) target(%dma_start3A_224 : memref<128xf32, #tpu.memory_space<vmem>>) offsets(%dma_start3A_227 : memref<128xi32, #tpu.memory_space<vmem>>) semaphore(%arg13 : memref<!tpu.dma_semaphore, #tpu.memory_space<semaphore_mem>>)
    %dma_start3A_230 = arith.constant 23 : i32
    %dma_start3A_231 = arith.constant 23 : i32
    %dma_start3A_232 = arith.constant 0 : i32
    %dma_start3A_233 = tpu.memref_slice %arg11[%dma_start3A_231, %dma_start3A_232] : memref<26x128xf32, #tpu.memory_space<vmem>> -> memref<1x128xf32, #tpu.memory_space<vmem>>
    %dma_start3A_234 = tpu.memref_squeeze %dma_start3A_233 : memref<1x128xf32, #tpu.memory_space<vmem>> -> memref<128xf32, #tpu.memory_space<vmem>>
    %dma_start3A_235 = arith.constant 0 : i32
    %dma_start3A_236 = tpu.memref_slice %arg8[%dma_start3A_230, %dma_start3A_235] : memref<26x128xi32, #tpu.memory_space<vmem>> -> memref<1x128xi32, #tpu.memory_space<vmem>>
    %dma_start3A_237 = tpu.memref_squeeze %dma_start3A_236 : memref<1x128xi32, #tpu.memory_space<vmem>> -> memref<128xi32, #tpu.memory_space<vmem>>
    %dma_start3A_238 = arith.constant 0 : i32
    %dma_start3A_239 = tpu.memref_slice %arg5[%dma_start3A_238] : memref<2600000xf32, #tpu.memory_space<hbm>> -> memref<2600000xf32, #tpu.memory_space<hbm>>
    tpu.enqueue_indirect_dma source(%dma_start3A_239 : memref<2600000xf32, #tpu.memory_space<hbm>>) target(%dma_start3A_234 : memref<128xf32, #tpu.memory_space<vmem>>) offsets(%dma_start3A_237 : memref<128xi32, #tpu.memory_space<vmem>>) semaphore(%arg13 : memref<!tpu.dma_semaphore, #tpu.memory_space<semaphore_mem>>)
    %dma_start3A_240 = arith.constant 24 : i32
    %dma_start3A_241 = arith.constant 24 : i32
    %dma_start3A_242 = arith.constant 0 : i32
    %dma_start3A_243 = tpu.memref_slice %arg11[%dma_start3A_241, %dma_start3A_242] : memref<26x128xf32, #tpu.memory_space<vmem>> -> memref<1x128xf32, #tpu.memory_space<vmem>>
    %dma_start3A_244 = tpu.memref_squeeze %dma_start3A_243 : memref<1x128xf32, #tpu.memory_space<vmem>> -> memref<128xf32, #tpu.memory_space<vmem>>
    %dma_start3A_245 = arith.constant 0 : i32
    %dma_start3A_246 = tpu.memref_slice %arg8[%dma_start3A_240, %dma_start3A_245] : memref<26x128xi32, #tpu.memory_space<vmem>> -> memref<1x128xi32, #tpu.memory_space<vmem>>
    %dma_start3A_247 = tpu.memref_squeeze %dma_start3A_246 : memref<1x128xi32, #tpu.memory_space<vmem>> -> memref<128xi32, #tpu.memory_space<vmem>>
    %dma_start3A_248 = arith.constant 0 : i32
    %dma_start3A_249 = tpu.memref_slice %arg5[%dma_start3A_248] : memref<2600000xf32, #tpu.memory_space<hbm>> -> memref<2600000xf32, #tpu.memory_space<hbm>>
    tpu.enqueue_indirect_dma source(%dma_start3A_249 : memref<2600000xf32, #tpu.memory_space<hbm>>) target(%dma_start3A_244 : memref<128xf32, #tpu.memory_space<vmem>>) offsets(%dma_start3A_247 : memref<128xi32, #tpu.memory_space<vmem>>) semaphore(%arg13 : memref<!tpu.dma_semaphore, #tpu.memory_space<semaphore_mem>>)
    %dma_start3A_250 = arith.constant 25 : i32
    %dma_start3A_251 = arith.constant 25 : i32
    %dma_start3A_252 = arith.constant 0 : i32
    %dma_start3A_253 = tpu.memref_slice %arg11[%dma_start3A_251, %dma_start3A_252] : memref<26x128xf32, #tpu.memory_space<vmem>> -> memref<1x128xf32, #tpu.memory_space<vmem>>
    %dma_start3A_254 = tpu.memref_squeeze %dma_start3A_253 : memref<1x128xf32, #tpu.memory_space<vmem>> -> memref<128xf32, #tpu.memory_space<vmem>>
    %dma_start3A_255 = arith.constant 0 : i32
    %dma_start3A_256 = tpu.memref_slice %arg8[%dma_start3A_250, %dma_start3A_255] : memref<26x128xi32, #tpu.memory_space<vmem>> -> memref<1x128xi32, #tpu.memory_space<vmem>>
    %dma_start3A_257 = tpu.memref_squeeze %dma_start3A_256 : memref<1x128xi32, #tpu.memory_space<vmem>> -> memref<128xi32, #tpu.memory_space<vmem>>
    %dma_start3A_258 = arith.constant 0 : i32
    %dma_start3A_259 = tpu.memref_slice %arg5[%dma_start3A_258] : memref<2600000xf32, #tpu.memory_space<hbm>> -> memref<2600000xf32, #tpu.memory_space<hbm>>
    tpu.enqueue_indirect_dma source(%dma_start3A_259 : memref<2600000xf32, #tpu.memory_space<hbm>>) target(%dma_start3A_254 : memref<128xf32, #tpu.memory_space<vmem>>) offsets(%dma_start3A_257 : memref<128xi32, #tpu.memory_space<vmem>>) semaphore(%arg13 : memref<!tpu.dma_semaphore, #tpu.memory_space<semaphore_mem>>)
    "tpu.region"() ({
      %run_scoped3A = tpu.sem_alloc : memref<!tpu.dma_semaphore, #tpu.memory_space<semaphore_mem>>
      %dma_start3A_546 = arith.constant 0 : i32
      %dma_start3A_547 = arith.constant 0 : i32
      %dma_start3A_548 = tpu.memref_slice %arg3[%add3A, %dma_start3A_546, %dma_start3A_547] : memref<32x832x128xi32, #tpu.memory_space<hbm>> -> memref<1x832x128xi32, #tpu.memory_space<hbm>>
      %dma_start3A_549 = tpu.memref_squeeze %dma_start3A_548 : memref<1x832x128xi32, #tpu.memory_space<hbm>> -> memref<832x128xi32, #tpu.memory_space<hbm>>
      %dma_start3A_550 = arith.constant 0 : i32
      %dma_start3A_551 = arith.constant 0 : i32
      %dma_start3A_552 = tpu.memref_slice %dma_start3A_549[%dma_start3A_550, %dma_start3A_551] : memref<832x128xi32, #tpu.memory_space<hbm>> -> memref<416x128xi32, #tpu.memory_space<hbm>>
      %dma_start3A_553 = arith.constant 0 : i32
      %dma_start3A_554 = arith.constant 0 : i32
      %dma_start3A_555 = tpu.memref_slice %arg3[%add3A, %dma_start3A_553, %dma_start3A_554] : memref<32x832x128xi32, #tpu.memory_space<hbm>> -> memref<1x832x128xi32, #tpu.memory_space<hbm>>
      %dma_start3A_556 = tpu.memref_squeeze %dma_start3A_555 : memref<1x832x128xi32, #tpu.memory_space<hbm>> -> memref<832x128xi32, #tpu.memory_space<hbm>>
      %dma_start3A_557 = arith.constant 0 : i32
      %dma_start3A_558 = arith.constant 0 : i32
      %dma_start3A_559 = tpu.memref_slice %dma_start3A_556[%dma_start3A_557, %dma_start3A_558] : memref<832x128xi32, #tpu.memory_space<hbm>> -> memref<416x128xi32, #tpu.memory_space<hbm>>
      tpu.enqueue_dma source(%dma_start3A_559 : memref<416x128xi32, #tpu.memory_space<hbm>>) target(%arg9 : memref<416x128xi32, #tpu.memory_space<vmem>>) target_semaphore(%run_scoped3A : memref<!tpu.dma_semaphore, #tpu.memory_space<semaphore_mem>>)
      %dma_wait3A_560 = arith.constant 0 : i32
      %dma_wait3A_561 = arith.constant 0 : i32
      %dma_wait3A_562 = tpu.memref_slice %arg3[%add3A, %dma_wait3A_560, %dma_wait3A_561] : memref<32x832x128xi32, #tpu.memory_space<hbm>> -> memref<1x832x128xi32, #tpu.memory_space<hbm>>
      %dma_wait3A_563 = tpu.memref_squeeze %dma_wait3A_562 : memref<1x832x128xi32, #tpu.memory_space<hbm>> -> memref<832x128xi32, #tpu.memory_space<hbm>>
      %dma_wait3A_564 = arith.constant 0 : i32
      %dma_wait3A_565 = arith.constant 0 : i32
      %dma_wait3A_566 = tpu.memref_slice %dma_wait3A_563[%dma_wait3A_564, %dma_wait3A_565] : memref<832x128xi32, #tpu.memory_space<hbm>> -> memref<416x128xi32, #tpu.memory_space<hbm>>
      %dma_wait3A_567 = arith.constant 0 : i32
      %dma_wait3A_568 = arith.constant 0 : i32
      %dma_wait3A_569 = tpu.memref_slice %arg3[%add3A, %dma_wait3A_567, %dma_wait3A_568] : memref<32x832x128xi32, #tpu.memory_space<hbm>> -> memref<1x832x128xi32, #tpu.memory_space<hbm>>
      %dma_wait3A_570 = tpu.memref_squeeze %dma_wait3A_569 : memref<1x832x128xi32, #tpu.memory_space<hbm>> -> memref<832x128xi32, #tpu.memory_space<hbm>>
      %dma_wait3A_571 = arith.constant 0 : i32
      %dma_wait3A_572 = arith.constant 0 : i32
      %dma_wait3A_573 = tpu.memref_slice %dma_wait3A_570[%dma_wait3A_571, %dma_wait3A_572] : memref<832x128xi32, #tpu.memory_space<hbm>> -> memref<416x128xi32, #tpu.memory_space<hbm>>
      tpu.wait_dma2 semaphore(%run_scoped3A : memref<!tpu.dma_semaphore, #tpu.memory_space<semaphore_mem>>) src(%dma_wait3A_573 : memref<416x128xi32, #tpu.memory_space<hbm>>) dst(%arg9 : memref<416x128xi32, #tpu.memory_space<vmem>>)
      tpu.yield
    }) : () -> ()
    %scan3A = arith.constant 0 : i32
    %scan3A_260 = arith.constant 0 : i32
    %scan3A_261 = arith.constant 416 : i32
    %scan3A_262 = arith.addi %scan3A_260, %scan3A_261 : i32
    %scan3A_263 = arith.constant 1 : i32
    %scan3A_264 = scf.for %scan3A_546 = %scan3A_260 to %scan3A_262 step %scan3A_263 iter_args(%scan3A_547 = %scan3A) -> (i32)  : i32 {
      %dma_start3A_548 = arith.constant 0 : i32
      %dma_start3A_549 = tpu.memref_slice %arg10[%scan3A_546, %dma_start3A_548] : memref<416x128xf32, #tpu.memory_space<vmem>> -> memref<1x128xf32, #tpu.memory_space<vmem>>
      %dma_start3A_550 = tpu.memref_squeeze %dma_start3A_549 : memref<1x128xf32, #tpu.memory_space<vmem>> -> memref<128xf32, #tpu.memory_space<vmem>>
      %dma_start3A_551 = arith.constant 0 : i32
      %dma_start3A_552 = tpu.memref_slice %arg9[%scan3A_546, %dma_start3A_551] : memref<416x128xi32, #tpu.memory_space<vmem>> -> memref<1x128xi32, #tpu.memory_space<vmem>>
      %dma_start3A_553 = tpu.memref_squeeze %dma_start3A_552 : memref<1x128xi32, #tpu.memory_space<vmem>> -> memref<128xi32, #tpu.memory_space<vmem>>
      %dma_start3A_554 = arith.constant 0 : i32
      %dma_start3A_555 = tpu.memref_slice %arg4[%dma_start3A_554] : memref<83200000xf32, #tpu.memory_space<hbm>> -> memref<83200000xf32, #tpu.memory_space<hbm>>
      tpu.enqueue_indirect_dma source(%dma_start3A_555 : memref<83200000xf32, #tpu.memory_space<hbm>>) target(%dma_start3A_550 : memref<128xf32, #tpu.memory_space<vmem>>) offsets(%dma_start3A_553 : memref<128xi32, #tpu.memory_space<vmem>>) semaphore(%arg12 : memref<!tpu.dma_semaphore, #tpu.memory_space<semaphore_mem>>)
      %scan3A_556 = arith.constant 0 : i32
      scf.yield %scan3A_556 : i32
    }
    %scan3A_265 = arith.constant 416 : i32
    %scan3A_266 = arith.constant 0 : i32
    %scan3A_267 = arith.constant 0 : i32
    %scan3A_268 = arith.constant 416 : i32
    %scan3A_269 = arith.addi %scan3A_267, %scan3A_268 : i32
    %scan3A_270 = arith.constant 1 : i32
    %scan3A_271 = scf.for %scan3A_546 = %scan3A_267 to %scan3A_269 step %scan3A_270 iter_args(%scan3A_547 = %scan3A_266) -> (i32)  : i32 {
      %dma_wait3A_548 = arith.constant 0 : i32
      %dma_wait3A_549 = arith.constant 0 : i32
      %dma_wait3A_550 = tpu.memref_slice %arg10[%dma_wait3A_548, %dma_wait3A_549] : memref<416x128xf32, #tpu.memory_space<vmem>> -> memref<1x128xf32, #tpu.memory_space<vmem>>
      %dma_wait3A_551 = tpu.memref_squeeze %dma_wait3A_550 : memref<1x128xf32, #tpu.memory_space<vmem>> -> memref<128xf32, #tpu.memory_space<vmem>>
      %dma_wait3A_552 = arith.constant 0 : i32
      %dma_wait3A_553 = tpu.memref_slice %arg4[%dma_wait3A_552] : memref<83200000xf32, #tpu.memory_space<hbm>> -> memref<128xf32, #tpu.memory_space<hbm>>
      %dma_wait3A_554 = arith.constant 0 : i32
      %dma_wait3A_555 = tpu.memref_slice %arg10[%dma_wait3A_548, %dma_wait3A_554] : memref<416x128xf32, #tpu.memory_space<vmem>> -> memref<1x128xf32, #tpu.memory_space<vmem>>
      %dma_wait3A_556 = tpu.memref_squeeze %dma_wait3A_555 : memref<1x128xf32, #tpu.memory_space<vmem>> -> memref<128xf32, #tpu.memory_space<vmem>>
      %dma_wait3A_557 = arith.constant 0 : i32
      %dma_wait3A_558 = tpu.memref_slice %arg4[%dma_wait3A_557] : memref<83200000xf32, #tpu.memory_space<hbm>> -> memref<128xf32, #tpu.memory_space<hbm>>
      tpu.wait_dma2 semaphore(%arg12 : memref<!tpu.dma_semaphore, #tpu.memory_space<semaphore_mem>>) src(%dma_wait3A_558 : memref<128xf32, #tpu.memory_space<hbm>>) dst(%dma_wait3A_556 : memref<128xf32, #tpu.memory_space<vmem>>)
      %scan3A_559 = arith.constant 0 : i32
      scf.yield %scan3A_559 : i32
    }
    %scan3A_272 = arith.constant 416 : i32
    "tpu.region"() ({
      %run_scoped3A = tpu.sem_alloc : memref<!tpu.dma_semaphore, #tpu.memory_space<semaphore_mem>>
      %dma_start3A_546 = arith.constant 0 : i32
      %dma_start3A_547 = arith.constant 0 : i32
      %dma_start3A_548 = tpu.memref_slice %arg6[%add3A, %dma_start3A_546, %dma_start3A_547] : memref<32x832x128xf32, #tpu.memory_space<hbm>> -> memref<1x832x128xf32, #tpu.memory_space<hbm>>
      %dma_start3A_549 = tpu.memref_squeeze %dma_start3A_548 : memref<1x832x128xf32, #tpu.memory_space<hbm>> -> memref<832x128xf32, #tpu.memory_space<hbm>>
      %dma_start3A_550 = arith.constant 0 : i32
      %dma_start3A_551 = arith.constant 0 : i32
      %dma_start3A_552 = tpu.memref_slice %dma_start3A_549[%dma_start3A_550, %dma_start3A_551] : memref<832x128xf32, #tpu.memory_space<hbm>> -> memref<416x128xf32, #tpu.memory_space<hbm>>
      %dma_start3A_553 = arith.constant 0 : i32
      %dma_start3A_554 = arith.constant 0 : i32
      %dma_start3A_555 = tpu.memref_slice %arg6[%add3A, %dma_start3A_553, %dma_start3A_554] : memref<32x832x128xf32, #tpu.memory_space<hbm>> -> memref<1x832x128xf32, #tpu.memory_space<hbm>>
      %dma_start3A_556 = tpu.memref_squeeze %dma_start3A_555 : memref<1x832x128xf32, #tpu.memory_space<hbm>> -> memref<832x128xf32, #tpu.memory_space<hbm>>
      %dma_start3A_557 = arith.constant 0 : i32
      %dma_start3A_558 = arith.constant 0 : i32
      %dma_start3A_559 = tpu.memref_slice %dma_start3A_556[%dma_start3A_557, %dma_start3A_558] : memref<832x128xf32, #tpu.memory_space<hbm>> -> memref<416x128xf32, #tpu.memory_space<hbm>>
      tpu.enqueue_dma source(%arg10 : memref<416x128xf32, #tpu.memory_space<vmem>>) target(%dma_start3A_559 : memref<416x128xf32, #tpu.memory_space<hbm>>) target_semaphore(%run_scoped3A : memref<!tpu.dma_semaphore, #tpu.memory_space<semaphore_mem>>)
      %dma_wait3A_560 = arith.constant 0 : i32
      %dma_wait3A_561 = arith.constant 0 : i32
      %dma_wait3A_562 = tpu.memref_slice %arg6[%add3A, %dma_wait3A_560, %dma_wait3A_561] : memref<32x832x128xf32, #tpu.memory_space<hbm>> -> memref<1x832x128xf32, #tpu.memory_space<hbm>>
      %dma_wait3A_563 = tpu.memref_squeeze %dma_wait3A_562 : memref<1x832x128xf32, #tpu.memory_space<hbm>> -> memref<832x128xf32, #tpu.memory_space<hbm>>
      %dma_wait3A_564 = arith.constant 0 : i32
      %dma_wait3A_565 = arith.constant 0 : i32
      %dma_wait3A_566 = tpu.memref_slice %dma_wait3A_563[%dma_wait3A_564, %dma_wait3A_565] : memref<832x128xf32, #tpu.memory_space<hbm>> -> memref<416x128xf32, #tpu.memory_space<hbm>>
      %dma_wait3A_567 = arith.constant 0 : i32
      %dma_wait3A_568 = arith.constant 0 : i32
      %dma_wait3A_569 = tpu.memref_slice %arg6[%add3A, %dma_wait3A_567, %dma_wait3A_568] : memref<32x832x128xf32, #tpu.memory_space<hbm>> -> memref<1x832x128xf32, #tpu.memory_space<hbm>>
      %dma_wait3A_570 = tpu.memref_squeeze %dma_wait3A_569 : memref<1x832x128xf32, #tpu.memory_space<hbm>> -> memref<832x128xf32, #tpu.memory_space<hbm>>
      %dma_wait3A_571 = arith.constant 0 : i32
      %dma_wait3A_572 = arith.constant 0 : i32
      %dma_wait3A_573 = tpu.memref_slice %dma_wait3A_570[%dma_wait3A_571, %dma_wait3A_572] : memref<832x128xf32, #tpu.memory_space<hbm>> -> memref<416x128xf32, #tpu.memory_space<hbm>>
      tpu.wait_dma2 semaphore(%run_scoped3A : memref<!tpu.dma_semaphore, #tpu.memory_space<semaphore_mem>>) src(%arg10 : memref<416x128xf32, #tpu.memory_space<vmem>>) dst(%dma_wait3A_573 : memref<416x128xf32, #tpu.memory_space<hbm>>)
      tpu.yield
    }) : () -> ()
    "tpu.region"() ({
      %run_scoped3A = tpu.sem_alloc : memref<!tpu.dma_semaphore, #tpu.memory_space<semaphore_mem>>
      %dma_start3A_546 = arith.constant 0 : i32
      %dma_start3A_547 = arith.constant 0 : i32
      %dma_start3A_548 = tpu.memref_slice %arg3[%add3A, %dma_start3A_546, %dma_start3A_547] : memref<32x832x128xi32, #tpu.memory_space<hbm>> -> memref<1x832x128xi32, #tpu.memory_space<hbm>>
      %dma_start3A_549 = tpu.memref_squeeze %dma_start3A_548 : memref<1x832x128xi32, #tpu.memory_space<hbm>> -> memref<832x128xi32, #tpu.memory_space<hbm>>
      %dma_start3A_550 = arith.constant 416 : i32
      %dma_start3A_551 = arith.constant 0 : i32
      %dma_start3A_552 = tpu.memref_slice %dma_start3A_549[%dma_start3A_550, %dma_start3A_551] : memref<832x128xi32, #tpu.memory_space<hbm>> -> memref<416x128xi32, #tpu.memory_space<hbm>>
      %dma_start3A_553 = arith.constant 0 : i32
      %dma_start3A_554 = arith.constant 0 : i32
      %dma_start3A_555 = tpu.memref_slice %arg3[%add3A, %dma_start3A_553, %dma_start3A_554] : memref<32x832x128xi32, #tpu.memory_space<hbm>> -> memref<1x832x128xi32, #tpu.memory_space<hbm>>
      %dma_start3A_556 = tpu.memref_squeeze %dma_start3A_555 : memref<1x832x128xi32, #tpu.memory_space<hbm>> -> memref<832x128xi32, #tpu.memory_space<hbm>>
      %dma_start3A_557 = arith.constant 416 : i32
      %dma_start3A_558 = arith.constant 0 : i32
      %dma_start3A_559 = tpu.memref_slice %dma_start3A_556[%dma_start3A_557, %dma_start3A_558] : memref<832x128xi32, #tpu.memory_space<hbm>> -> memref<416x128xi32, #tpu.memory_space<hbm>>
      tpu.enqueue_dma source(%dma_start3A_559 : memref<416x128xi32, #tpu.memory_space<hbm>>) target(%arg9 : memref<416x128xi32, #tpu.memory_space<vmem>>) target_semaphore(%run_scoped3A : memref<!tpu.dma_semaphore, #tpu.memory_space<semaphore_mem>>)
      %dma_wait3A_560 = arith.constant 0 : i32
      %dma_wait3A_561 = arith.constant 0 : i32
      %dma_wait3A_562 = tpu.memref_slice %arg3[%add3A, %dma_wait3A_560, %dma_wait3A_561] : memref<32x832x128xi32, #tpu.memory_space<hbm>> -> memref<1x832x128xi32, #tpu.memory_space<hbm>>
      %dma_wait3A_563 = tpu.memref_squeeze %dma_wait3A_562 : memref<1x832x128xi32, #tpu.memory_space<hbm>> -> memref<832x128xi32, #tpu.memory_space<hbm>>
      %dma_wait3A_564 = arith.constant 416 : i32
      %dma_wait3A_565 = arith.constant 0 : i32
      %dma_wait3A_566 = tpu.memref_slice %dma_wait3A_563[%dma_wait3A_564, %dma_wait3A_565] : memref<832x128xi32, #tpu.memory_space<hbm>> -> memref<416x128xi32, #tpu.memory_space<hbm>>
      %dma_wait3A_567 = arith.constant 0 : i32
      %dma_wait3A_568 = arith.constant 0 : i32
      %dma_wait3A_569 = tpu.memref_slice %arg3[%add3A, %dma_wait3A_567, %dma_wait3A_568] : memref<32x832x128xi32, #tpu.memory_space<hbm>> -> memref<1x832x128xi32, #tpu.memory_space<hbm>>
      %dma_wait3A_570 = tpu.memref_squeeze %dma_wait3A_569 : memref<1x832x128xi32, #tpu.memory_space<hbm>> -> memref<832x128xi32, #tpu.memory_space<hbm>>
      %dma_wait3A_571 = arith.constant 416 : i32
      %dma_wait3A_572 = arith.constant 0 : i32
      %dma_wait3A_573 = tpu.memref_slice %dma_wait3A_570[%dma_wait3A_571, %dma_wait3A_572] : memref<832x128xi32, #tpu.memory_space<hbm>> -> memref<416x128xi32, #tpu.memory_space<hbm>>
      tpu.wait_dma2 semaphore(%run_scoped3A : memref<!tpu.dma_semaphore, #tpu.memory_space<semaphore_mem>>) src(%dma_wait3A_573 : memref<416x128xi32, #tpu.memory_space<hbm>>) dst(%arg9 : memref<416x128xi32, #tpu.memory_space<vmem>>)
      tpu.yield
    }) : () -> ()
    %scan3A_273 = arith.constant 0 : i32
    %scan3A_274 = arith.constant 0 : i32
    %scan3A_275 = arith.constant 416 : i32
    %scan3A_276 = arith.addi %scan3A_274, %scan3A_275 : i32
    %scan3A_277 = arith.constant 1 : i32
    %scan3A_278 = scf.for %scan3A_546 = %scan3A_274 to %scan3A_276 step %scan3A_277 iter_args(%scan3A_547 = %scan3A_273) -> (i32)  : i32 {
      %dma_start3A_548 = arith.constant 0 : i32
      %dma_start3A_549 = tpu.memref_slice %arg10[%scan3A_546, %dma_start3A_548] : memref<416x128xf32, #tpu.memory_space<vmem>> -> memref<1x128xf32, #tpu.memory_space<vmem>>
      %dma_start3A_550 = tpu.memref_squeeze %dma_start3A_549 : memref<1x128xf32, #tpu.memory_space<vmem>> -> memref<128xf32, #tpu.memory_space<vmem>>
      %dma_start3A_551 = arith.constant 0 : i32
      %dma_start3A_552 = tpu.memref_slice %arg9[%scan3A_546, %dma_start3A_551] : memref<416x128xi32, #tpu.memory_space<vmem>> -> memref<1x128xi32, #tpu.memory_space<vmem>>
      %dma_start3A_553 = tpu.memref_squeeze %dma_start3A_552 : memref<1x128xi32, #tpu.memory_space<vmem>> -> memref<128xi32, #tpu.memory_space<vmem>>
      %dma_start3A_554 = arith.constant 0 : i32
      %dma_start3A_555 = tpu.memref_slice %arg4[%dma_start3A_554] : memref<83200000xf32, #tpu.memory_space<hbm>> -> memref<83200000xf32, #tpu.memory_space<hbm>>
      tpu.enqueue_indirect_dma source(%dma_start3A_555 : memref<83200000xf32, #tpu.memory_space<hbm>>) target(%dma_start3A_550 : memref<128xf32, #tpu.memory_space<vmem>>) offsets(%dma_start3A_553 : memref<128xi32, #tpu.memory_space<vmem>>) semaphore(%arg12 : memref<!tpu.dma_semaphore, #tpu.memory_space<semaphore_mem>>)
      %scan3A_556 = arith.constant 0 : i32
      scf.yield %scan3A_556 : i32
    }
    %scan3A_279 = arith.constant 416 : i32
    %scan3A_280 = arith.constant 0 : i32
    %scan3A_281 = arith.constant 0 : i32
    %scan3A_282 = arith.constant 416 : i32
    %scan3A_283 = arith.addi %scan3A_281, %scan3A_282 : i32
    %scan3A_284 = arith.constant 1 : i32
    %scan3A_285 = scf.for %scan3A_546 = %scan3A_281 to %scan3A_283 step %scan3A_284 iter_args(%scan3A_547 = %scan3A_280) -> (i32)  : i32 {
      %dma_wait3A_548 = arith.constant 0 : i32
      %dma_wait3A_549 = arith.constant 0 : i32
      %dma_wait3A_550 = tpu.memref_slice %arg10[%dma_wait3A_548, %dma_wait3A_549] : memref<416x128xf32, #tpu.memory_space<vmem>> -> memref<1x128xf32, #tpu.memory_space<vmem>>
      %dma_wait3A_551 = tpu.memref_squeeze %dma_wait3A_550 : memref<1x128xf32, #tpu.memory_space<vmem>> -> memref<128xf32, #tpu.memory_space<vmem>>
      %dma_wait3A_552 = arith.constant 0 : i32
      %dma_wait3A_553 = tpu.memref_slice %arg4[%dma_wait3A_552] : memref<83200000xf32, #tpu.memory_space<hbm>> -> memref<128xf32, #tpu.memory_space<hbm>>
      %dma_wait3A_554 = arith.constant 0 : i32
      %dma_wait3A_555 = tpu.memref_slice %arg10[%dma_wait3A_548, %dma_wait3A_554] : memref<416x128xf32, #tpu.memory_space<vmem>> -> memref<1x128xf32, #tpu.memory_space<vmem>>
      %dma_wait3A_556 = tpu.memref_squeeze %dma_wait3A_555 : memref<1x128xf32, #tpu.memory_space<vmem>> -> memref<128xf32, #tpu.memory_space<vmem>>
      %dma_wait3A_557 = arith.constant 0 : i32
      %dma_wait3A_558 = tpu.memref_slice %arg4[%dma_wait3A_557] : memref<83200000xf32, #tpu.memory_space<hbm>> -> memref<128xf32, #tpu.memory_space<hbm>>
      tpu.wait_dma2 semaphore(%arg12 : memref<!tpu.dma_semaphore, #tpu.memory_space<semaphore_mem>>) src(%dma_wait3A_558 : memref<128xf32, #tpu.memory_space<hbm>>) dst(%dma_wait3A_556 : memref<128xf32, #tpu.memory_space<vmem>>)
      %scan3A_559 = arith.constant 0 : i32
      scf.yield %scan3A_559 : i32
    }
    %scan3A_286 = arith.constant 416 : i32
    "tpu.region"() ({
      %run_scoped3A = tpu.sem_alloc : memref<!tpu.dma_semaphore, #tpu.memory_space<semaphore_mem>>
      %dma_start3A_546 = arith.constant 0 : i32
      %dma_start3A_547 = arith.constant 0 : i32
      %dma_start3A_548 = tpu.memref_slice %arg6[%add3A, %dma_start3A_546, %dma_start3A_547] : memref<32x832x128xf32, #tpu.memory_space<hbm>> -> memref<1x832x128xf32, #tpu.memory_space<hbm>>
      %dma_start3A_549 = tpu.memref_squeeze %dma_start3A_548 : memref<1x832x128xf32, #tpu.memory_space<hbm>> -> memref<832x128xf32, #tpu.memory_space<hbm>>
      %dma_start3A_550 = arith.constant 416 : i32
      %dma_start3A_551 = arith.constant 0 : i32
      %dma_start3A_552 = tpu.memref_slice %dma_start3A_549[%dma_start3A_550, %dma_start3A_551] : memref<832x128xf32, #tpu.memory_space<hbm>> -> memref<416x128xf32, #tpu.memory_space<hbm>>
      %dma_start3A_553 = arith.constant 0 : i32
      %dma_start3A_554 = arith.constant 0 : i32
      %dma_start3A_555 = tpu.memref_slice %arg6[%add3A, %dma_start3A_553, %dma_start3A_554] : memref<32x832x128xf32, #tpu.memory_space<hbm>> -> memref<1x832x128xf32, #tpu.memory_space<hbm>>
      %dma_start3A_556 = tpu.memref_squeeze %dma_start3A_555 : memref<1x832x128xf32, #tpu.memory_space<hbm>> -> memref<832x128xf32, #tpu.memory_space<hbm>>
      %dma_start3A_557 = arith.constant 416 : i32
      %dma_start3A_558 = arith.constant 0 : i32
      %dma_start3A_559 = tpu.memref_slice %dma_start3A_556[%dma_start3A_557, %dma_start3A_558] : memref<832x128xf32, #tpu.memory_space<hbm>> -> memref<416x128xf32, #tpu.memory_space<hbm>>
      tpu.enqueue_dma source(%arg10 : memref<416x128xf32, #tpu.memory_space<vmem>>) target(%dma_start3A_559 : memref<416x128xf32, #tpu.memory_space<hbm>>) target_semaphore(%run_scoped3A : memref<!tpu.dma_semaphore, #tpu.memory_space<semaphore_mem>>)
      %dma_wait3A_560 = arith.constant 0 : i32
      %dma_wait3A_561 = arith.constant 0 : i32
      %dma_wait3A_562 = tpu.memref_slice %arg6[%add3A, %dma_wait3A_560, %dma_wait3A_561] : memref<32x832x128xf32, #tpu.memory_space<hbm>> -> memref<1x832x128xf32, #tpu.memory_space<hbm>>
      %dma_wait3A_563 = tpu.memref_squeeze %dma_wait3A_562 : memref<1x832x128xf32, #tpu.memory_space<hbm>> -> memref<832x128xf32, #tpu.memory_space<hbm>>
      %dma_wait3A_564 = arith.constant 416 : i32
      %dma_wait3A_565 = arith.constant 0 : i32
      %dma_wait3A_566 = tpu.memref_slice %dma_wait3A_563[%dma_wait3A_564, %dma_wait3A_565] : memref<832x128xf32, #tpu.memory_space<hbm>> -> memref<416x128xf32, #tpu.memory_space<hbm>>
      %dma_wait3A_567 = arith.constant 0 : i32
      %dma_wait3A_568 = arith.constant 0 : i32
      %dma_wait3A_569 = tpu.memref_slice %arg6[%add3A, %dma_wait3A_567, %dma_wait3A_568] : memref<32x832x128xf32, #tpu.memory_space<hbm>> -> memref<1x832x128xf32, #tpu.memory_space<hbm>>
      %dma_wait3A_570 = tpu.memref_squeeze %dma_wait3A_569 : memref<1x832x128xf32, #tpu.memory_space<hbm>> -> memref<832x128xf32, #tpu.memory_space<hbm>>
      %dma_wait3A_571 = arith.constant 416 : i32
      %dma_wait3A_572 = arith.constant 0 : i32
      %dma_wait3A_573 = tpu.memref_slice %dma_wait3A_570[%dma_wait3A_571, %dma_wait3A_572] : memref<832x128xf32, #tpu.memory_space<hbm>> -> memref<416x128xf32, #tpu.memory_space<hbm>>
      tpu.wait_dma2 semaphore(%run_scoped3A : memref<!tpu.dma_semaphore, #tpu.memory_space<semaphore_mem>>) src(%arg10 : memref<416x128xf32, #tpu.memory_space<vmem>>) dst(%dma_wait3A_573 : memref<416x128xf32, #tpu.memory_space<hbm>>)
      tpu.yield
    }) : () -> ()
    %dma_wait3A = arith.constant 0 : i32
    %dma_wait3A_287 = arith.constant 0 : i32
    %dma_wait3A_288 = arith.constant 0 : i32
    %dma_wait3A_289 = tpu.memref_slice %arg11[%dma_wait3A_287, %dma_wait3A_288] : memref<26x128xf32, #tpu.memory_space<vmem>> -> memref<1x128xf32, #tpu.memory_space<vmem>>
    %dma_wait3A_290 = tpu.memref_squeeze %dma_wait3A_289 : memref<1x128xf32, #tpu.memory_space<vmem>> -> memref<128xf32, #tpu.memory_space<vmem>>
    %dma_wait3A_291 = arith.constant 0 : i32
    %dma_wait3A_292 = tpu.memref_slice %arg8[%dma_wait3A, %dma_wait3A_291] : memref<26x128xi32, #tpu.memory_space<vmem>> -> memref<1x128xi32, #tpu.memory_space<vmem>>
    %dma_wait3A_293 = tpu.memref_squeeze %dma_wait3A_292 : memref<1x128xi32, #tpu.memory_space<vmem>> -> memref<128xi32, #tpu.memory_space<vmem>>
    %dma_wait3A_294 = arith.constant 0 : i32
    %dma_wait3A_295 = tpu.memref_slice %arg5[%dma_wait3A_294] : memref<2600000xf32, #tpu.memory_space<hbm>> -> memref<2600000xf32, #tpu.memory_space<hbm>>
    tpu.wait_indirect_dma semaphore(%arg13 : memref<!tpu.dma_semaphore, #tpu.memory_space<semaphore_mem>>) src(%dma_wait3A_295 : memref<2600000xf32, #tpu.memory_space<hbm>>) dst(%dma_wait3A_290 : memref<128xf32, #tpu.memory_space<vmem>>)
    %dma_wait3A_296 = arith.constant 1 : i32
    %dma_wait3A_297 = arith.constant 1 : i32
    %dma_wait3A_298 = arith.constant 0 : i32
    %dma_wait3A_299 = tpu.memref_slice %arg11[%dma_wait3A_297, %dma_wait3A_298] : memref<26x128xf32, #tpu.memory_space<vmem>> -> memref<1x128xf32, #tpu.memory_space<vmem>>
    %dma_wait3A_300 = tpu.memref_squeeze %dma_wait3A_299 : memref<1x128xf32, #tpu.memory_space<vmem>> -> memref<128xf32, #tpu.memory_space<vmem>>
    %dma_wait3A_301 = arith.constant 0 : i32
    %dma_wait3A_302 = tpu.memref_slice %arg8[%dma_wait3A_296, %dma_wait3A_301] : memref<26x128xi32, #tpu.memory_space<vmem>> -> memref<1x128xi32, #tpu.memory_space<vmem>>
    %dma_wait3A_303 = tpu.memref_squeeze %dma_wait3A_302 : memref<1x128xi32, #tpu.memory_space<vmem>> -> memref<128xi32, #tpu.memory_space<vmem>>
    %dma_wait3A_304 = arith.constant 0 : i32
    %dma_wait3A_305 = tpu.memref_slice %arg5[%dma_wait3A_304] : memref<2600000xf32, #tpu.memory_space<hbm>> -> memref<2600000xf32, #tpu.memory_space<hbm>>
    tpu.wait_indirect_dma semaphore(%arg13 : memref<!tpu.dma_semaphore, #tpu.memory_space<semaphore_mem>>) src(%dma_wait3A_305 : memref<2600000xf32, #tpu.memory_space<hbm>>) dst(%dma_wait3A_300 : memref<128xf32, #tpu.memory_space<vmem>>)
    %dma_wait3A_306 = arith.constant 2 : i32
    %dma_wait3A_307 = arith.constant 2 : i32
    %dma_wait3A_308 = arith.constant 0 : i32
    %dma_wait3A_309 = tpu.memref_slice %arg11[%dma_wait3A_307, %dma_wait3A_308] : memref<26x128xf32, #tpu.memory_space<vmem>> -> memref<1x128xf32, #tpu.memory_space<vmem>>
    %dma_wait3A_310 = tpu.memref_squeeze %dma_wait3A_309 : memref<1x128xf32, #tpu.memory_space<vmem>> -> memref<128xf32, #tpu.memory_space<vmem>>
    %dma_wait3A_311 = arith.constant 0 : i32
    %dma_wait3A_312 = tpu.memref_slice %arg8[%dma_wait3A_306, %dma_wait3A_311] : memref<26x128xi32, #tpu.memory_space<vmem>> -> memref<1x128xi32, #tpu.memory_space<vmem>>
    %dma_wait3A_313 = tpu.memref_squeeze %dma_wait3A_312 : memref<1x128xi32, #tpu.memory_space<vmem>> -> memref<128xi32, #tpu.memory_space<vmem>>
    %dma_wait3A_314 = arith.constant 0 : i32
    %dma_wait3A_315 = tpu.memref_slice %arg5[%dma_wait3A_314] : memref<2600000xf32, #tpu.memory_space<hbm>> -> memref<2600000xf32, #tpu.memory_space<hbm>>
    tpu.wait_indirect_dma semaphore(%arg13 : memref<!tpu.dma_semaphore, #tpu.memory_space<semaphore_mem>>) src(%dma_wait3A_315 : memref<2600000xf32, #tpu.memory_space<hbm>>) dst(%dma_wait3A_310 : memref<128xf32, #tpu.memory_space<vmem>>)
    %dma_wait3A_316 = arith.constant 3 : i32
    %dma_wait3A_317 = arith.constant 3 : i32
    %dma_wait3A_318 = arith.constant 0 : i32
    %dma_wait3A_319 = tpu.memref_slice %arg11[%dma_wait3A_317, %dma_wait3A_318] : memref<26x128xf32, #tpu.memory_space<vmem>> -> memref<1x128xf32, #tpu.memory_space<vmem>>
    %dma_wait3A_320 = tpu.memref_squeeze %dma_wait3A_319 : memref<1x128xf32, #tpu.memory_space<vmem>> -> memref<128xf32, #tpu.memory_space<vmem>>
    %dma_wait3A_321 = arith.constant 0 : i32
    %dma_wait3A_322 = tpu.memref_slice %arg8[%dma_wait3A_316, %dma_wait3A_321] : memref<26x128xi32, #tpu.memory_space<vmem>> -> memref<1x128xi32, #tpu.memory_space<vmem>>
    %dma_wait3A_323 = tpu.memref_squeeze %dma_wait3A_322 : memref<1x128xi32, #tpu.memory_space<vmem>> -> memref<128xi32, #tpu.memory_space<vmem>>
    %dma_wait3A_324 = arith.constant 0 : i32
    %dma_wait3A_325 = tpu.memref_slice %arg5[%dma_wait3A_324] : memref<2600000xf32, #tpu.memory_space<hbm>> -> memref<2600000xf32, #tpu.memory_space<hbm>>
    tpu.wait_indirect_dma semaphore(%arg13 : memref<!tpu.dma_semaphore, #tpu.memory_space<semaphore_mem>>) src(%dma_wait3A_325 : memref<2600000xf32, #tpu.memory_space<hbm>>) dst(%dma_wait3A_320 : memref<128xf32, #tpu.memory_space<vmem>>)
    %dma_wait3A_326 = arith.constant 4 : i32
    %dma_wait3A_327 = arith.constant 4 : i32
    %dma_wait3A_328 = arith.constant 0 : i32
    %dma_wait3A_329 = tpu.memref_slice %arg11[%dma_wait3A_327, %dma_wait3A_328] : memref<26x128xf32, #tpu.memory_space<vmem>> -> memref<1x128xf32, #tpu.memory_space<vmem>>
    %dma_wait3A_330 = tpu.memref_squeeze %dma_wait3A_329 : memref<1x128xf32, #tpu.memory_space<vmem>> -> memref<128xf32, #tpu.memory_space<vmem>>
    %dma_wait3A_331 = arith.constant 0 : i32
    %dma_wait3A_332 = tpu.memref_slice %arg8[%dma_wait3A_326, %dma_wait3A_331] : memref<26x128xi32, #tpu.memory_space<vmem>> -> memref<1x128xi32, #tpu.memory_space<vmem>>
    %dma_wait3A_333 = tpu.memref_squeeze %dma_wait3A_332 : memref<1x128xi32, #tpu.memory_space<vmem>> -> memref<128xi32, #tpu.memory_space<vmem>>
    %dma_wait3A_334 = arith.constant 0 : i32
    %dma_wait3A_335 = tpu.memref_slice %arg5[%dma_wait3A_334] : memref<2600000xf32, #tpu.memory_space<hbm>> -> memref<2600000xf32, #tpu.memory_space<hbm>>
    tpu.wait_indirect_dma semaphore(%arg13 : memref<!tpu.dma_semaphore, #tpu.memory_space<semaphore_mem>>) src(%dma_wait3A_335 : memref<2600000xf32, #tpu.memory_space<hbm>>) dst(%dma_wait3A_330 : memref<128xf32, #tpu.memory_space<vmem>>)
    %dma_wait3A_336 = arith.constant 5 : i32
    %dma_wait3A_337 = arith.constant 5 : i32
    %dma_wait3A_338 = arith.constant 0 : i32
    %dma_wait3A_339 = tpu.memref_slice %arg11[%dma_wait3A_337, %dma_wait3A_338] : memref<26x128xf32, #tpu.memory_space<vmem>> -> memref<1x128xf32, #tpu.memory_space<vmem>>
    %dma_wait3A_340 = tpu.memref_squeeze %dma_wait3A_339 : memref<1x128xf32, #tpu.memory_space<vmem>> -> memref<128xf32, #tpu.memory_space<vmem>>
    %dma_wait3A_341 = arith.constant 0 : i32
    %dma_wait3A_342 = tpu.memref_slice %arg8[%dma_wait3A_336, %dma_wait3A_341] : memref<26x128xi32, #tpu.memory_space<vmem>> -> memref<1x128xi32, #tpu.memory_space<vmem>>
    %dma_wait3A_343 = tpu.memref_squeeze %dma_wait3A_342 : memref<1x128xi32, #tpu.memory_space<vmem>> -> memref<128xi32, #tpu.memory_space<vmem>>
    %dma_wait3A_344 = arith.constant 0 : i32
    %dma_wait3A_345 = tpu.memref_slice %arg5[%dma_wait3A_344] : memref<2600000xf32, #tpu.memory_space<hbm>> -> memref<2600000xf32, #tpu.memory_space<hbm>>
    tpu.wait_indirect_dma semaphore(%arg13 : memref<!tpu.dma_semaphore, #tpu.memory_space<semaphore_mem>>) src(%dma_wait3A_345 : memref<2600000xf32, #tpu.memory_space<hbm>>) dst(%dma_wait3A_340 : memref<128xf32, #tpu.memory_space<vmem>>)
    %dma_wait3A_346 = arith.constant 6 : i32
    %dma_wait3A_347 = arith.constant 6 : i32
    %dma_wait3A_348 = arith.constant 0 : i32
    %dma_wait3A_349 = tpu.memref_slice %arg11[%dma_wait3A_347, %dma_wait3A_348] : memref<26x128xf32, #tpu.memory_space<vmem>> -> memref<1x128xf32, #tpu.memory_space<vmem>>
    %dma_wait3A_350 = tpu.memref_squeeze %dma_wait3A_349 : memref<1x128xf32, #tpu.memory_space<vmem>> -> memref<128xf32, #tpu.memory_space<vmem>>
    %dma_wait3A_351 = arith.constant 0 : i32
    %dma_wait3A_352 = tpu.memref_slice %arg8[%dma_wait3A_346, %dma_wait3A_351] : memref<26x128xi32, #tpu.memory_space<vmem>> -> memref<1x128xi32, #tpu.memory_space<vmem>>
    %dma_wait3A_353 = tpu.memref_squeeze %dma_wait3A_352 : memref<1x128xi32, #tpu.memory_space<vmem>> -> memref<128xi32, #tpu.memory_space<vmem>>
    %dma_wait3A_354 = arith.constant 0 : i32
    %dma_wait3A_355 = tpu.memref_slice %arg5[%dma_wait3A_354] : memref<2600000xf32, #tpu.memory_space<hbm>> -> memref<2600000xf32, #tpu.memory_space<hbm>>
    tpu.wait_indirect_dma semaphore(%arg13 : memref<!tpu.dma_semaphore, #tpu.memory_space<semaphore_mem>>) src(%dma_wait3A_355 : memref<2600000xf32, #tpu.memory_space<hbm>>) dst(%dma_wait3A_350 : memref<128xf32, #tpu.memory_space<vmem>>)
    %dma_wait3A_356 = arith.constant 7 : i32
    %dma_wait3A_357 = arith.constant 7 : i32
    %dma_wait3A_358 = arith.constant 0 : i32
    %dma_wait3A_359 = tpu.memref_slice %arg11[%dma_wait3A_357, %dma_wait3A_358] : memref<26x128xf32, #tpu.memory_space<vmem>> -> memref<1x128xf32, #tpu.memory_space<vmem>>
    %dma_wait3A_360 = tpu.memref_squeeze %dma_wait3A_359 : memref<1x128xf32, #tpu.memory_space<vmem>> -> memref<128xf32, #tpu.memory_space<vmem>>
    %dma_wait3A_361 = arith.constant 0 : i32
    %dma_wait3A_362 = tpu.memref_slice %arg8[%dma_wait3A_356, %dma_wait3A_361] : memref<26x128xi32, #tpu.memory_space<vmem>> -> memref<1x128xi32, #tpu.memory_space<vmem>>
    %dma_wait3A_363 = tpu.memref_squeeze %dma_wait3A_362 : memref<1x128xi32, #tpu.memory_space<vmem>> -> memref<128xi32, #tpu.memory_space<vmem>>
    %dma_wait3A_364 = arith.constant 0 : i32
    %dma_wait3A_365 = tpu.memref_slice %arg5[%dma_wait3A_364] : memref<2600000xf32, #tpu.memory_space<hbm>> -> memref<2600000xf32, #tpu.memory_space<hbm>>
    tpu.wait_indirect_dma semaphore(%arg13 : memref<!tpu.dma_semaphore, #tpu.memory_space<semaphore_mem>>) src(%dma_wait3A_365 : memref<2600000xf32, #tpu.memory_space<hbm>>) dst(%dma_wait3A_360 : memref<128xf32, #tpu.memory_space<vmem>>)
    %dma_wait3A_366 = arith.constant 8 : i32
    %dma_wait3A_367 = arith.constant 8 : i32
    %dma_wait3A_368 = arith.constant 0 : i32
    %dma_wait3A_369 = tpu.memref_slice %arg11[%dma_wait3A_367, %dma_wait3A_368] : memref<26x128xf32, #tpu.memory_space<vmem>> -> memref<1x128xf32, #tpu.memory_space<vmem>>
    %dma_wait3A_370 = tpu.memref_squeeze %dma_wait3A_369 : memref<1x128xf32, #tpu.memory_space<vmem>> -> memref<128xf32, #tpu.memory_space<vmem>>
    %dma_wait3A_371 = arith.constant 0 : i32
    %dma_wait3A_372 = tpu.memref_slice %arg8[%dma_wait3A_366, %dma_wait3A_371] : memref<26x128xi32, #tpu.memory_space<vmem>> -> memref<1x128xi32, #tpu.memory_space<vmem>>
    %dma_wait3A_373 = tpu.memref_squeeze %dma_wait3A_372 : memref<1x128xi32, #tpu.memory_space<vmem>> -> memref<128xi32, #tpu.memory_space<vmem>>
    %dma_wait3A_374 = arith.constant 0 : i32
    %dma_wait3A_375 = tpu.memref_slice %arg5[%dma_wait3A_374] : memref<2600000xf32, #tpu.memory_space<hbm>> -> memref<2600000xf32, #tpu.memory_space<hbm>>
    tpu.wait_indirect_dma semaphore(%arg13 : memref<!tpu.dma_semaphore, #tpu.memory_space<semaphore_mem>>) src(%dma_wait3A_375 : memref<2600000xf32, #tpu.memory_space<hbm>>) dst(%dma_wait3A_370 : memref<128xf32, #tpu.memory_space<vmem>>)
    %dma_wait3A_376 = arith.constant 9 : i32
    %dma_wait3A_377 = arith.constant 9 : i32
    %dma_wait3A_378 = arith.constant 0 : i32
    %dma_wait3A_379 = tpu.memref_slice %arg11[%dma_wait3A_377, %dma_wait3A_378] : memref<26x128xf32, #tpu.memory_space<vmem>> -> memref<1x128xf32, #tpu.memory_space<vmem>>
    %dma_wait3A_380 = tpu.memref_squeeze %dma_wait3A_379 : memref<1x128xf32, #tpu.memory_space<vmem>> -> memref<128xf32, #tpu.memory_space<vmem>>
    %dma_wait3A_381 = arith.constant 0 : i32
    %dma_wait3A_382 = tpu.memref_slice %arg8[%dma_wait3A_376, %dma_wait3A_381] : memref<26x128xi32, #tpu.memory_space<vmem>> -> memref<1x128xi32, #tpu.memory_space<vmem>>
    %dma_wait3A_383 = tpu.memref_squeeze %dma_wait3A_382 : memref<1x128xi32, #tpu.memory_space<vmem>> -> memref<128xi32, #tpu.memory_space<vmem>>
    %dma_wait3A_384 = arith.constant 0 : i32
    %dma_wait3A_385 = tpu.memref_slice %arg5[%dma_wait3A_384] : memref<2600000xf32, #tpu.memory_space<hbm>> -> memref<2600000xf32, #tpu.memory_space<hbm>>
    tpu.wait_indirect_dma semaphore(%arg13 : memref<!tpu.dma_semaphore, #tpu.memory_space<semaphore_mem>>) src(%dma_wait3A_385 : memref<2600000xf32, #tpu.memory_space<hbm>>) dst(%dma_wait3A_380 : memref<128xf32, #tpu.memory_space<vmem>>)
    %dma_wait3A_386 = arith.constant 10 : i32
    %dma_wait3A_387 = arith.constant 10 : i32
    %dma_wait3A_388 = arith.constant 0 : i32
    %dma_wait3A_389 = tpu.memref_slice %arg11[%dma_wait3A_387, %dma_wait3A_388] : memref<26x128xf32, #tpu.memory_space<vmem>> -> memref<1x128xf32, #tpu.memory_space<vmem>>
    %dma_wait3A_390 = tpu.memref_squeeze %dma_wait3A_389 : memref<1x128xf32, #tpu.memory_space<vmem>> -> memref<128xf32, #tpu.memory_space<vmem>>
    %dma_wait3A_391 = arith.constant 0 : i32
    %dma_wait3A_392 = tpu.memref_slice %arg8[%dma_wait3A_386, %dma_wait3A_391] : memref<26x128xi32, #tpu.memory_space<vmem>> -> memref<1x128xi32, #tpu.memory_space<vmem>>
    %dma_wait3A_393 = tpu.memref_squeeze %dma_wait3A_392 : memref<1x128xi32, #tpu.memory_space<vmem>> -> memref<128xi32, #tpu.memory_space<vmem>>
    %dma_wait3A_394 = arith.constant 0 : i32
    %dma_wait3A_395 = tpu.memref_slice %arg5[%dma_wait3A_394] : memref<2600000xf32, #tpu.memory_space<hbm>> -> memref<2600000xf32, #tpu.memory_space<hbm>>
    tpu.wait_indirect_dma semaphore(%arg13 : memref<!tpu.dma_semaphore, #tpu.memory_space<semaphore_mem>>) src(%dma_wait3A_395 : memref<2600000xf32, #tpu.memory_space<hbm>>) dst(%dma_wait3A_390 : memref<128xf32, #tpu.memory_space<vmem>>)
    %dma_wait3A_396 = arith.constant 11 : i32
    %dma_wait3A_397 = arith.constant 11 : i32
    %dma_wait3A_398 = arith.constant 0 : i32
    %dma_wait3A_399 = tpu.memref_slice %arg11[%dma_wait3A_397, %dma_wait3A_398] : memref<26x128xf32, #tpu.memory_space<vmem>> -> memref<1x128xf32, #tpu.memory_space<vmem>>
    %dma_wait3A_400 = tpu.memref_squeeze %dma_wait3A_399 : memref<1x128xf32, #tpu.memory_space<vmem>> -> memref<128xf32, #tpu.memory_space<vmem>>
    %dma_wait3A_401 = arith.constant 0 : i32
    %dma_wait3A_402 = tpu.memref_slice %arg8[%dma_wait3A_396, %dma_wait3A_401] : memref<26x128xi32, #tpu.memory_space<vmem>> -> memref<1x128xi32, #tpu.memory_space<vmem>>
    %dma_wait3A_403 = tpu.memref_squeeze %dma_wait3A_402 : memref<1x128xi32, #tpu.memory_space<vmem>> -> memref<128xi32, #tpu.memory_space<vmem>>
    %dma_wait3A_404 = arith.constant 0 : i32
    %dma_wait3A_405 = tpu.memref_slice %arg5[%dma_wait3A_404] : memref<2600000xf32, #tpu.memory_space<hbm>> -> memref<2600000xf32, #tpu.memory_space<hbm>>
    tpu.wait_indirect_dma semaphore(%arg13 : memref<!tpu.dma_semaphore, #tpu.memory_space<semaphore_mem>>) src(%dma_wait3A_405 : memref<2600000xf32, #tpu.memory_space<hbm>>) dst(%dma_wait3A_400 : memref<128xf32, #tpu.memory_space<vmem>>)
    %dma_wait3A_406 = arith.constant 12 : i32
    %dma_wait3A_407 = arith.constant 12 : i32
    %dma_wait3A_408 = arith.constant 0 : i32
    %dma_wait3A_409 = tpu.memref_slice %arg11[%dma_wait3A_407, %dma_wait3A_408] : memref<26x128xf32, #tpu.memory_space<vmem>> -> memref<1x128xf32, #tpu.memory_space<vmem>>
    %dma_wait3A_410 = tpu.memref_squeeze %dma_wait3A_409 : memref<1x128xf32, #tpu.memory_space<vmem>> -> memref<128xf32, #tpu.memory_space<vmem>>
    %dma_wait3A_411 = arith.constant 0 : i32
    %dma_wait3A_412 = tpu.memref_slice %arg8[%dma_wait3A_406, %dma_wait3A_411] : memref<26x128xi32, #tpu.memory_space<vmem>> -> memref<1x128xi32, #tpu.memory_space<vmem>>
    %dma_wait3A_413 = tpu.memref_squeeze %dma_wait3A_412 : memref<1x128xi32, #tpu.memory_space<vmem>> -> memref<128xi32, #tpu.memory_space<vmem>>
    %dma_wait3A_414 = arith.constant 0 : i32
    %dma_wait3A_415 = tpu.memref_slice %arg5[%dma_wait3A_414] : memref<2600000xf32, #tpu.memory_space<hbm>> -> memref<2600000xf32, #tpu.memory_space<hbm>>
    tpu.wait_indirect_dma semaphore(%arg13 : memref<!tpu.dma_semaphore, #tpu.memory_space<semaphore_mem>>) src(%dma_wait3A_415 : memref<2600000xf32, #tpu.memory_space<hbm>>) dst(%dma_wait3A_410 : memref<128xf32, #tpu.memory_space<vmem>>)
    %dma_wait3A_416 = arith.constant 13 : i32
    %dma_wait3A_417 = arith.constant 13 : i32
    %dma_wait3A_418 = arith.constant 0 : i32
    %dma_wait3A_419 = tpu.memref_slice %arg11[%dma_wait3A_417, %dma_wait3A_418] : memref<26x128xf32, #tpu.memory_space<vmem>> -> memref<1x128xf32, #tpu.memory_space<vmem>>
    %dma_wait3A_420 = tpu.memref_squeeze %dma_wait3A_419 : memref<1x128xf32, #tpu.memory_space<vmem>> -> memref<128xf32, #tpu.memory_space<vmem>>
    %dma_wait3A_421 = arith.constant 0 : i32
    %dma_wait3A_422 = tpu.memref_slice %arg8[%dma_wait3A_416, %dma_wait3A_421] : memref<26x128xi32, #tpu.memory_space<vmem>> -> memref<1x128xi32, #tpu.memory_space<vmem>>
    %dma_wait3A_423 = tpu.memref_squeeze %dma_wait3A_422 : memref<1x128xi32, #tpu.memory_space<vmem>> -> memref<128xi32, #tpu.memory_space<vmem>>
    %dma_wait3A_424 = arith.constant 0 : i32
    %dma_wait3A_425 = tpu.memref_slice %arg5[%dma_wait3A_424] : memref<2600000xf32, #tpu.memory_space<hbm>> -> memref<2600000xf32, #tpu.memory_space<hbm>>
    tpu.wait_indirect_dma semaphore(%arg13 : memref<!tpu.dma_semaphore, #tpu.memory_space<semaphore_mem>>) src(%dma_wait3A_425 : memref<2600000xf32, #tpu.memory_space<hbm>>) dst(%dma_wait3A_420 : memref<128xf32, #tpu.memory_space<vmem>>)
    %dma_wait3A_426 = arith.constant 14 : i32
    %dma_wait3A_427 = arith.constant 14 : i32
    %dma_wait3A_428 = arith.constant 0 : i32
    %dma_wait3A_429 = tpu.memref_slice %arg11[%dma_wait3A_427, %dma_wait3A_428] : memref<26x128xf32, #tpu.memory_space<vmem>> -> memref<1x128xf32, #tpu.memory_space<vmem>>
    %dma_wait3A_430 = tpu.memref_squeeze %dma_wait3A_429 : memref<1x128xf32, #tpu.memory_space<vmem>> -> memref<128xf32, #tpu.memory_space<vmem>>
    %dma_wait3A_431 = arith.constant 0 : i32
    %dma_wait3A_432 = tpu.memref_slice %arg8[%dma_wait3A_426, %dma_wait3A_431] : memref<26x128xi32, #tpu.memory_space<vmem>> -> memref<1x128xi32, #tpu.memory_space<vmem>>
    %dma_wait3A_433 = tpu.memref_squeeze %dma_wait3A_432 : memref<1x128xi32, #tpu.memory_space<vmem>> -> memref<128xi32, #tpu.memory_space<vmem>>
    %dma_wait3A_434 = arith.constant 0 : i32
    %dma_wait3A_435 = tpu.memref_slice %arg5[%dma_wait3A_434] : memref<2600000xf32, #tpu.memory_space<hbm>> -> memref<2600000xf32, #tpu.memory_space<hbm>>
    tpu.wait_indirect_dma semaphore(%arg13 : memref<!tpu.dma_semaphore, #tpu.memory_space<semaphore_mem>>) src(%dma_wait3A_435 : memref<2600000xf32, #tpu.memory_space<hbm>>) dst(%dma_wait3A_430 : memref<128xf32, #tpu.memory_space<vmem>>)
    %dma_wait3A_436 = arith.constant 15 : i32
    %dma_wait3A_437 = arith.constant 15 : i32
    %dma_wait3A_438 = arith.constant 0 : i32
    %dma_wait3A_439 = tpu.memref_slice %arg11[%dma_wait3A_437, %dma_wait3A_438] : memref<26x128xf32, #tpu.memory_space<vmem>> -> memref<1x128xf32, #tpu.memory_space<vmem>>
    %dma_wait3A_440 = tpu.memref_squeeze %dma_wait3A_439 : memref<1x128xf32, #tpu.memory_space<vmem>> -> memref<128xf32, #tpu.memory_space<vmem>>
    %dma_wait3A_441 = arith.constant 0 : i32
    %dma_wait3A_442 = tpu.memref_slice %arg8[%dma_wait3A_436, %dma_wait3A_441] : memref<26x128xi32, #tpu.memory_space<vmem>> -> memref<1x128xi32, #tpu.memory_space<vmem>>
    %dma_wait3A_443 = tpu.memref_squeeze %dma_wait3A_442 : memref<1x128xi32, #tpu.memory_space<vmem>> -> memref<128xi32, #tpu.memory_space<vmem>>
    %dma_wait3A_444 = arith.constant 0 : i32
    %dma_wait3A_445 = tpu.memref_slice %arg5[%dma_wait3A_444] : memref<2600000xf32, #tpu.memory_space<hbm>> -> memref<2600000xf32, #tpu.memory_space<hbm>>
    tpu.wait_indirect_dma semaphore(%arg13 : memref<!tpu.dma_semaphore, #tpu.memory_space<semaphore_mem>>) src(%dma_wait3A_445 : memref<2600000xf32, #tpu.memory_space<hbm>>) dst(%dma_wait3A_440 : memref<128xf32, #tpu.memory_space<vmem>>)
    %dma_wait3A_446 = arith.constant 16 : i32
    %dma_wait3A_447 = arith.constant 16 : i32
    %dma_wait3A_448 = arith.constant 0 : i32
    %dma_wait3A_449 = tpu.memref_slice %arg11[%dma_wait3A_447, %dma_wait3A_448] : memref<26x128xf32, #tpu.memory_space<vmem>> -> memref<1x128xf32, #tpu.memory_space<vmem>>
    %dma_wait3A_450 = tpu.memref_squeeze %dma_wait3A_449 : memref<1x128xf32, #tpu.memory_space<vmem>> -> memref<128xf32, #tpu.memory_space<vmem>>
    %dma_wait3A_451 = arith.constant 0 : i32
    %dma_wait3A_452 = tpu.memref_slice %arg8[%dma_wait3A_446, %dma_wait3A_451] : memref<26x128xi32, #tpu.memory_space<vmem>> -> memref<1x128xi32, #tpu.memory_space<vmem>>
    %dma_wait3A_453 = tpu.memref_squeeze %dma_wait3A_452 : memref<1x128xi32, #tpu.memory_space<vmem>> -> memref<128xi32, #tpu.memory_space<vmem>>
    %dma_wait3A_454 = arith.constant 0 : i32
    %dma_wait3A_455 = tpu.memref_slice %arg5[%dma_wait3A_454] : memref<2600000xf32, #tpu.memory_space<hbm>> -> memref<2600000xf32, #tpu.memory_space<hbm>>
    tpu.wait_indirect_dma semaphore(%arg13 : memref<!tpu.dma_semaphore, #tpu.memory_space<semaphore_mem>>) src(%dma_wait3A_455 : memref<2600000xf32, #tpu.memory_space<hbm>>) dst(%dma_wait3A_450 : memref<128xf32, #tpu.memory_space<vmem>>)
    %dma_wait3A_456 = arith.constant 17 : i32
    %dma_wait3A_457 = arith.constant 17 : i32
    %dma_wait3A_458 = arith.constant 0 : i32
    %dma_wait3A_459 = tpu.memref_slice %arg11[%dma_wait3A_457, %dma_wait3A_458] : memref<26x128xf32, #tpu.memory_space<vmem>> -> memref<1x128xf32, #tpu.memory_space<vmem>>
    %dma_wait3A_460 = tpu.memref_squeeze %dma_wait3A_459 : memref<1x128xf32, #tpu.memory_space<vmem>> -> memref<128xf32, #tpu.memory_space<vmem>>
    %dma_wait3A_461 = arith.constant 0 : i32
    %dma_wait3A_462 = tpu.memref_slice %arg8[%dma_wait3A_456, %dma_wait3A_461] : memref<26x128xi32, #tpu.memory_space<vmem>> -> memref<1x128xi32, #tpu.memory_space<vmem>>
    %dma_wait3A_463 = tpu.memref_squeeze %dma_wait3A_462 : memref<1x128xi32, #tpu.memory_space<vmem>> -> memref<128xi32, #tpu.memory_space<vmem>>
    %dma_wait3A_464 = arith.constant 0 : i32
    %dma_wait3A_465 = tpu.memref_slice %arg5[%dma_wait3A_464] : memref<2600000xf32, #tpu.memory_space<hbm>> -> memref<2600000xf32, #tpu.memory_space<hbm>>
    tpu.wait_indirect_dma semaphore(%arg13 : memref<!tpu.dma_semaphore, #tpu.memory_space<semaphore_mem>>) src(%dma_wait3A_465 : memref<2600000xf32, #tpu.memory_space<hbm>>) dst(%dma_wait3A_460 : memref<128xf32, #tpu.memory_space<vmem>>)
    %dma_wait3A_466 = arith.constant 18 : i32
    %dma_wait3A_467 = arith.constant 18 : i32
    %dma_wait3A_468 = arith.constant 0 : i32
    %dma_wait3A_469 = tpu.memref_slice %arg11[%dma_wait3A_467, %dma_wait3A_468] : memref<26x128xf32, #tpu.memory_space<vmem>> -> memref<1x128xf32, #tpu.memory_space<vmem>>
    %dma_wait3A_470 = tpu.memref_squeeze %dma_wait3A_469 : memref<1x128xf32, #tpu.memory_space<vmem>> -> memref<128xf32, #tpu.memory_space<vmem>>
    %dma_wait3A_471 = arith.constant 0 : i32
    %dma_wait3A_472 = tpu.memref_slice %arg8[%dma_wait3A_466, %dma_wait3A_471] : memref<26x128xi32, #tpu.memory_space<vmem>> -> memref<1x128xi32, #tpu.memory_space<vmem>>
    %dma_wait3A_473 = tpu.memref_squeeze %dma_wait3A_472 : memref<1x128xi32, #tpu.memory_space<vmem>> -> memref<128xi32, #tpu.memory_space<vmem>>
    %dma_wait3A_474 = arith.constant 0 : i32
    %dma_wait3A_475 = tpu.memref_slice %arg5[%dma_wait3A_474] : memref<2600000xf32, #tpu.memory_space<hbm>> -> memref<2600000xf32, #tpu.memory_space<hbm>>
    tpu.wait_indirect_dma semaphore(%arg13 : memref<!tpu.dma_semaphore, #tpu.memory_space<semaphore_mem>>) src(%dma_wait3A_475 : memref<2600000xf32, #tpu.memory_space<hbm>>) dst(%dma_wait3A_470 : memref<128xf32, #tpu.memory_space<vmem>>)
    %dma_wait3A_476 = arith.constant 19 : i32
    %dma_wait3A_477 = arith.constant 19 : i32
    %dma_wait3A_478 = arith.constant 0 : i32
    %dma_wait3A_479 = tpu.memref_slice %arg11[%dma_wait3A_477, %dma_wait3A_478] : memref<26x128xf32, #tpu.memory_space<vmem>> -> memref<1x128xf32, #tpu.memory_space<vmem>>
    %dma_wait3A_480 = tpu.memref_squeeze %dma_wait3A_479 : memref<1x128xf32, #tpu.memory_space<vmem>> -> memref<128xf32, #tpu.memory_space<vmem>>
    %dma_wait3A_481 = arith.constant 0 : i32
    %dma_wait3A_482 = tpu.memref_slice %arg8[%dma_wait3A_476, %dma_wait3A_481] : memref<26x128xi32, #tpu.memory_space<vmem>> -> memref<1x128xi32, #tpu.memory_space<vmem>>
    %dma_wait3A_483 = tpu.memref_squeeze %dma_wait3A_482 : memref<1x128xi32, #tpu.memory_space<vmem>> -> memref<128xi32, #tpu.memory_space<vmem>>
    %dma_wait3A_484 = arith.constant 0 : i32
    %dma_wait3A_485 = tpu.memref_slice %arg5[%dma_wait3A_484] : memref<2600000xf32, #tpu.memory_space<hbm>> -> memref<2600000xf32, #tpu.memory_space<hbm>>
    tpu.wait_indirect_dma semaphore(%arg13 : memref<!tpu.dma_semaphore, #tpu.memory_space<semaphore_mem>>) src(%dma_wait3A_485 : memref<2600000xf32, #tpu.memory_space<hbm>>) dst(%dma_wait3A_480 : memref<128xf32, #tpu.memory_space<vmem>>)
    %dma_wait3A_486 = arith.constant 20 : i32
    %dma_wait3A_487 = arith.constant 20 : i32
    %dma_wait3A_488 = arith.constant 0 : i32
    %dma_wait3A_489 = tpu.memref_slice %arg11[%dma_wait3A_487, %dma_wait3A_488] : memref<26x128xf32, #tpu.memory_space<vmem>> -> memref<1x128xf32, #tpu.memory_space<vmem>>
    %dma_wait3A_490 = tpu.memref_squeeze %dma_wait3A_489 : memref<1x128xf32, #tpu.memory_space<vmem>> -> memref<128xf32, #tpu.memory_space<vmem>>
    %dma_wait3A_491 = arith.constant 0 : i32
    %dma_wait3A_492 = tpu.memref_slice %arg8[%dma_wait3A_486, %dma_wait3A_491] : memref<26x128xi32, #tpu.memory_space<vmem>> -> memref<1x128xi32, #tpu.memory_space<vmem>>
    %dma_wait3A_493 = tpu.memref_squeeze %dma_wait3A_492 : memref<1x128xi32, #tpu.memory_space<vmem>> -> memref<128xi32, #tpu.memory_space<vmem>>
    %dma_wait3A_494 = arith.constant 0 : i32
    %dma_wait3A_495 = tpu.memref_slice %arg5[%dma_wait3A_494] : memref<2600000xf32, #tpu.memory_space<hbm>> -> memref<2600000xf32, #tpu.memory_space<hbm>>
    tpu.wait_indirect_dma semaphore(%arg13 : memref<!tpu.dma_semaphore, #tpu.memory_space<semaphore_mem>>) src(%dma_wait3A_495 : memref<2600000xf32, #tpu.memory_space<hbm>>) dst(%dma_wait3A_490 : memref<128xf32, #tpu.memory_space<vmem>>)
    %dma_wait3A_496 = arith.constant 21 : i32
    %dma_wait3A_497 = arith.constant 21 : i32
    %dma_wait3A_498 = arith.constant 0 : i32
    %dma_wait3A_499 = tpu.memref_slice %arg11[%dma_wait3A_497, %dma_wait3A_498] : memref<26x128xf32, #tpu.memory_space<vmem>> -> memref<1x128xf32, #tpu.memory_space<vmem>>
    %dma_wait3A_500 = tpu.memref_squeeze %dma_wait3A_499 : memref<1x128xf32, #tpu.memory_space<vmem>> -> memref<128xf32, #tpu.memory_space<vmem>>
    %dma_wait3A_501 = arith.constant 0 : i32
    %dma_wait3A_502 = tpu.memref_slice %arg8[%dma_wait3A_496, %dma_wait3A_501] : memref<26x128xi32, #tpu.memory_space<vmem>> -> memref<1x128xi32, #tpu.memory_space<vmem>>
    %dma_wait3A_503 = tpu.memref_squeeze %dma_wait3A_502 : memref<1x128xi32, #tpu.memory_space<vmem>> -> memref<128xi32, #tpu.memory_space<vmem>>
    %dma_wait3A_504 = arith.constant 0 : i32
    %dma_wait3A_505 = tpu.memref_slice %arg5[%dma_wait3A_504] : memref<2600000xf32, #tpu.memory_space<hbm>> -> memref<2600000xf32, #tpu.memory_space<hbm>>
    tpu.wait_indirect_dma semaphore(%arg13 : memref<!tpu.dma_semaphore, #tpu.memory_space<semaphore_mem>>) src(%dma_wait3A_505 : memref<2600000xf32, #tpu.memory_space<hbm>>) dst(%dma_wait3A_500 : memref<128xf32, #tpu.memory_space<vmem>>)
    %dma_wait3A_506 = arith.constant 22 : i32
    %dma_wait3A_507 = arith.constant 22 : i32
    %dma_wait3A_508 = arith.constant 0 : i32
    %dma_wait3A_509 = tpu.memref_slice %arg11[%dma_wait3A_507, %dma_wait3A_508] : memref<26x128xf32, #tpu.memory_space<vmem>> -> memref<1x128xf32, #tpu.memory_space<vmem>>
    %dma_wait3A_510 = tpu.memref_squeeze %dma_wait3A_509 : memref<1x128xf32, #tpu.memory_space<vmem>> -> memref<128xf32, #tpu.memory_space<vmem>>
    %dma_wait3A_511 = arith.constant 0 : i32
    %dma_wait3A_512 = tpu.memref_slice %arg8[%dma_wait3A_506, %dma_wait3A_511] : memref<26x128xi32, #tpu.memory_space<vmem>> -> memref<1x128xi32, #tpu.memory_space<vmem>>
    %dma_wait3A_513 = tpu.memref_squeeze %dma_wait3A_512 : memref<1x128xi32, #tpu.memory_space<vmem>> -> memref<128xi32, #tpu.memory_space<vmem>>
    %dma_wait3A_514 = arith.constant 0 : i32
    %dma_wait3A_515 = tpu.memref_slice %arg5[%dma_wait3A_514] : memref<2600000xf32, #tpu.memory_space<hbm>> -> memref<2600000xf32, #tpu.memory_space<hbm>>
    tpu.wait_indirect_dma semaphore(%arg13 : memref<!tpu.dma_semaphore, #tpu.memory_space<semaphore_mem>>) src(%dma_wait3A_515 : memref<2600000xf32, #tpu.memory_space<hbm>>) dst(%dma_wait3A_510 : memref<128xf32, #tpu.memory_space<vmem>>)
    %dma_wait3A_516 = arith.constant 23 : i32
    %dma_wait3A_517 = arith.constant 23 : i32
    %dma_wait3A_518 = arith.constant 0 : i32
    %dma_wait3A_519 = tpu.memref_slice %arg11[%dma_wait3A_517, %dma_wait3A_518] : memref<26x128xf32, #tpu.memory_space<vmem>> -> memref<1x128xf32, #tpu.memory_space<vmem>>
    %dma_wait3A_520 = tpu.memref_squeeze %dma_wait3A_519 : memref<1x128xf32, #tpu.memory_space<vmem>> -> memref<128xf32, #tpu.memory_space<vmem>>
    %dma_wait3A_521 = arith.constant 0 : i32
    %dma_wait3A_522 = tpu.memref_slice %arg8[%dma_wait3A_516, %dma_wait3A_521] : memref<26x128xi32, #tpu.memory_space<vmem>> -> memref<1x128xi32, #tpu.memory_space<vmem>>
    %dma_wait3A_523 = tpu.memref_squeeze %dma_wait3A_522 : memref<1x128xi32, #tpu.memory_space<vmem>> -> memref<128xi32, #tpu.memory_space<vmem>>
    %dma_wait3A_524 = arith.constant 0 : i32
    %dma_wait3A_525 = tpu.memref_slice %arg5[%dma_wait3A_524] : memref<2600000xf32, #tpu.memory_space<hbm>> -> memref<2600000xf32, #tpu.memory_space<hbm>>
    tpu.wait_indirect_dma semaphore(%arg13 : memref<!tpu.dma_semaphore, #tpu.memory_space<semaphore_mem>>) src(%dma_wait3A_525 : memref<2600000xf32, #tpu.memory_space<hbm>>) dst(%dma_wait3A_520 : memref<128xf32, #tpu.memory_space<vmem>>)
    %dma_wait3A_526 = arith.constant 24 : i32
    %dma_wait3A_527 = arith.constant 24 : i32
    %dma_wait3A_528 = arith.constant 0 : i32
    %dma_wait3A_529 = tpu.memref_slice %arg11[%dma_wait3A_527, %dma_wait3A_528] : memref<26x128xf32, #tpu.memory_space<vmem>> -> memref<1x128xf32, #tpu.memory_space<vmem>>
    %dma_wait3A_530 = tpu.memref_squeeze %dma_wait3A_529 : memref<1x128xf32, #tpu.memory_space<vmem>> -> memref<128xf32, #tpu.memory_space<vmem>>
    %dma_wait3A_531 = arith.constant 0 : i32
    %dma_wait3A_532 = tpu.memref_slice %arg8[%dma_wait3A_526, %dma_wait3A_531] : memref<26x128xi32, #tpu.memory_space<vmem>> -> memref<1x128xi32, #tpu.memory_space<vmem>>
    %dma_wait3A_533 = tpu.memref_squeeze %dma_wait3A_532 : memref<1x128xi32, #tpu.memory_space<vmem>> -> memref<128xi32, #tpu.memory_space<vmem>>
    %dma_wait3A_534 = arith.constant 0 : i32
    %dma_wait3A_535 = tpu.memref_slice %arg5[%dma_wait3A_534] : memref<2600000xf32, #tpu.memory_space<hbm>> -> memref<2600000xf32, #tpu.memory_space<hbm>>
    tpu.wait_indirect_dma semaphore(%arg13 : memref<!tpu.dma_semaphore, #tpu.memory_space<semaphore_mem>>) src(%dma_wait3A_535 : memref<2600000xf32, #tpu.memory_space<hbm>>) dst(%dma_wait3A_530 : memref<128xf32, #tpu.memory_space<vmem>>)
    %dma_wait3A_536 = arith.constant 25 : i32
    %dma_wait3A_537 = arith.constant 25 : i32
    %dma_wait3A_538 = arith.constant 0 : i32
    %dma_wait3A_539 = tpu.memref_slice %arg11[%dma_wait3A_537, %dma_wait3A_538] : memref<26x128xf32, #tpu.memory_space<vmem>> -> memref<1x128xf32, #tpu.memory_space<vmem>>
    %dma_wait3A_540 = tpu.memref_squeeze %dma_wait3A_539 : memref<1x128xf32, #tpu.memory_space<vmem>> -> memref<128xf32, #tpu.memory_space<vmem>>
    %dma_wait3A_541 = arith.constant 0 : i32
    %dma_wait3A_542 = tpu.memref_slice %arg8[%dma_wait3A_536, %dma_wait3A_541] : memref<26x128xi32, #tpu.memory_space<vmem>> -> memref<1x128xi32, #tpu.memory_space<vmem>>
    %dma_wait3A_543 = tpu.memref_squeeze %dma_wait3A_542 : memref<1x128xi32, #tpu.memory_space<vmem>> -> memref<128xi32, #tpu.memory_space<vmem>>
    %dma_wait3A_544 = arith.constant 0 : i32
    %dma_wait3A_545 = tpu.memref_slice %arg5[%dma_wait3A_544] : memref<2600000xf32, #tpu.memory_space<hbm>> -> memref<2600000xf32, #tpu.memory_space<hbm>>
    tpu.wait_indirect_dma semaphore(%arg13 : memref<!tpu.dma_semaphore, #tpu.memory_space<semaphore_mem>>) src(%dma_wait3A_545 : memref<2600000xf32, #tpu.memory_space<hbm>>) dst(%dma_wait3A_540 : memref<128xf32, #tpu.memory_space<vmem>>)
    "tpu.region"() ({
      %run_scoped3A = tpu.sem_alloc : memref<!tpu.dma_semaphore, #tpu.memory_space<semaphore_mem>>
      %dma_start3A_546 = arith.constant 0 : i32
      %dma_start3A_547 = arith.constant 0 : i32
      %dma_start3A_548 = tpu.memref_slice %arg7[%add3A, %dma_start3A_546, %dma_start3A_547] : memref<32x26x128xf32, #tpu.memory_space<hbm>> -> memref<1x26x128xf32, #tpu.memory_space<hbm>>
      %dma_start3A_549 = tpu.memref_squeeze %dma_start3A_548 : memref<1x26x128xf32, #tpu.memory_space<hbm>> -> memref<26x128xf32, #tpu.memory_space<hbm>>
      %dma_start3A_550 = arith.constant 0 : i32
      %dma_start3A_551 = arith.constant 0 : i32
      %dma_start3A_552 = tpu.memref_slice %arg7[%add3A, %dma_start3A_550, %dma_start3A_551] : memref<32x26x128xf32, #tpu.memory_space<hbm>> -> memref<1x26x128xf32, #tpu.memory_space<hbm>>
      %dma_start3A_553 = tpu.memref_squeeze %dma_start3A_552 : memref<1x26x128xf32, #tpu.memory_space<hbm>> -> memref<26x128xf32, #tpu.memory_space<hbm>>
      tpu.enqueue_dma source(%arg11 : memref<26x128xf32, #tpu.memory_space<vmem>>) target(%dma_start3A_553 : memref<26x128xf32, #tpu.memory_space<hbm>>) target_semaphore(%run_scoped3A : memref<!tpu.dma_semaphore, #tpu.memory_space<semaphore_mem>>)
      %dma_wait3A_554 = arith.constant 0 : i32
      %dma_wait3A_555 = arith.constant 0 : i32
      %dma_wait3A_556 = tpu.memref_slice %arg7[%add3A, %dma_wait3A_554, %dma_wait3A_555] : memref<32x26x128xf32, #tpu.memory_space<hbm>> -> memref<1x26x128xf32, #tpu.memory_space<hbm>>
      %dma_wait3A_557 = tpu.memref_squeeze %dma_wait3A_556 : memref<1x26x128xf32, #tpu.memory_space<hbm>> -> memref<26x128xf32, #tpu.memory_space<hbm>>
      %dma_wait3A_558 = arith.constant 0 : i32
      %dma_wait3A_559 = arith.constant 0 : i32
      %dma_wait3A_560 = tpu.memref_slice %arg7[%add3A, %dma_wait3A_558, %dma_wait3A_559] : memref<32x26x128xf32, #tpu.memory_space<hbm>> -> memref<1x26x128xf32, #tpu.memory_space<hbm>>
      %dma_wait3A_561 = tpu.memref_squeeze %dma_wait3A_560 : memref<1x26x128xf32, #tpu.memory_space<hbm>> -> memref<26x128xf32, #tpu.memory_space<hbm>>
      tpu.wait_dma2 semaphore(%run_scoped3A : memref<!tpu.dma_semaphore, #tpu.memory_space<semaphore_mem>>) src(%arg11 : memref<26x128xf32, #tpu.memory_space<vmem>>) dst(%dma_wait3A_561 : memref<26x128xf32, #tpu.memory_space<hbm>>)
      tpu.yield
    }) : () -> ()
    return
  }
}

module attributes {stable_mosaic.version = 14 : i64} {
  func.func @_mlp_body(%arg0: i32, %arg1: memref<512x832xf32, #tpu.memory_space<vmem>>, %arg2: memref<512x26xf32, #tpu.memory_space<vmem>>, %arg3: memref<512x256xf32, #tpu.memory_space<vmem>>, %arg4: memref<1x256xf32, #tpu.memory_space<vmem>>, %arg5: memref<1x512xf32, #tpu.memory_space<vmem>>, %arg6: memref<1x512xf32, #tpu.memory_space<vmem>>, %arg7: memref<1x512xf32, #tpu.memory_space<vmem>>, %arg8: memref<1x512xf32, #tpu.memory_space<vmem>>, %arg9: memref<1x512xf32, #tpu.memory_space<vmem>>, %arg10: memref<1x256xf32, #tpu.memory_space<vmem>>, %arg11: memref<1x256xf32, #tpu.memory_space<vmem>>, %arg12: memref<1x256xf32, #tpu.memory_space<vmem>>, %arg13: memref<1x256xf32, #tpu.memory_space<vmem>>, %arg14: memref<1x256xf32, #tpu.memory_space<vmem>>, %arg15: memref<1x1xf32, #tpu.memory_space<vmem>>, %arg16: memref<832x512xf32, #tpu.memory_space<vmem>>, %arg17: memref<512x1xf32, #tpu.memory_space<vmem>>) attributes {dimension_semantics = [#tpu.dimension_semantics<arbitrary>], iteration_bounds = array<i64: 8>, scalar_prefetch = 0 : i64, scratch_operands = 0 : i64, tpu.core_type = #tpu.core_type<tc>, window_params = [{transform_indices = @transform_0, window_bounds = array<i64: 512, 832>}, {transform_indices = @transform_1, window_bounds = array<i64: 512, 26>}, {pipeline_mode = #tpu.pipeline_mode<synchronous>, transform_indices = @transform_2, window_bounds = array<i64: 512, 256>}, {pipeline_mode = #tpu.pipeline_mode<synchronous>, transform_indices = @transform_3, window_bounds = array<i64: 1, 256>}, {pipeline_mode = #tpu.pipeline_mode<synchronous>, transform_indices = @transform_4, window_bounds = array<i64: 1, 512>}, {pipeline_mode = #tpu.pipeline_mode<synchronous>, transform_indices = @transform_5, window_bounds = array<i64: 1, 512>}, {pipeline_mode = #tpu.pipeline_mode<synchronous>, transform_indices = @transform_6, window_bounds = array<i64: 1, 512>}, {pipeline_mode = #tpu.pipeline_mode<synchronous>, transform_indices = @transform_7, window_bounds = array<i64: 1, 512>}, {pipeline_mode = #tpu.pipeline_mode<synchronous>, transform_indices = @transform_8, window_bounds = array<i64: 1, 512>}, {pipeline_mode = #tpu.pipeline_mode<synchronous>, transform_indices = @transform_9, window_bounds = array<i64: 1, 256>}, {pipeline_mode = #tpu.pipeline_mode<synchronous>, transform_indices = @transform_10, window_bounds = array<i64: 1, 256>}, {pipeline_mode = #tpu.pipeline_mode<synchronous>, transform_indices = @transform_11, window_bounds = array<i64: 1, 256>}, {pipeline_mode = #tpu.pipeline_mode<synchronous>, transform_indices = @transform_12, window_bounds = array<i64: 1, 256>}, {pipeline_mode = #tpu.pipeline_mode<synchronous>, transform_indices = @transform_13, window_bounds = array<i64: 1, 256>}, {pipeline_mode = #tpu.pipeline_mode<synchronous>, transform_indices = @transform_14, window_bounds = array<i64: 1, 1>}, {pipeline_mode = #tpu.pipeline_mode<synchronous>, transform_indices = @transform_15, window_bounds = array<i64: 832, 512>}, {transform_indices = @transform_16, window_bounds = array<i64: 512, 1>}]} {
    %get3A = arith.constant 0 : index
    %get3A_0 = arith.constant 0 : index
    %get3A_1 = vector.load %arg5[%get3A, %get3A_0] : memref<1x512xf32, #tpu.memory_space<vmem>>, vector<1x512xf32>
    %broadcast_in_dim3A = arith.constant 0.000000e+00 : f32
    %broadcast_in_dim3A_2 = vector.broadcast %broadcast_in_dim3A : f32 to vector<512x32xf32>
    %broadcast_in_dim3A_3 = arith.constant 0.000000e+00 : f32
    %broadcast_in_dim3A_4 = vector.broadcast %broadcast_in_dim3A_3 : f32 to vector<512x32xf32>
    %get3A_5 = arith.constant 0 : index
    %get3A_6 = arith.constant 0 : index
    %get3A_7 = vector.load %arg1[%get3A_5, %get3A_6] : memref<512x832xf32, #tpu.memory_space<vmem>>, vector<512x832xf32>
    %get3A_8 = arith.constant 0 : index
    %get3A_9 = arith.constant 0 : index
    %get3A_10 = vector.load %arg16[%get3A_8, %get3A_9] : memref<832x512xf32, #tpu.memory_space<vmem>>, vector<832x512xf32>
    %dot_general3A = arith.constant dense<0.000000e+00> : vector<512x512xf32>
    %dot_general3A_11 = tpu.matmul %get3A_7, %get3A_10, %dot_general3A {dimension_numbers = #tpu.dot_dimension_numbers<[1], [0], [0], [1], [0, 0, 1, 1], [], []>, transpose_lhs_hint = false} : vector<512x832xf32>, vector<832x512xf32>, vector<512x512xf32> -> vector<512x512xf32>
    %add3A = vector.broadcast %get3A_1 : vector<1x512xf32> to vector<512x512xf32>
    %add3A_12 = arith.addf %add3A, %dot_general3A_11 : vector<512x512xf32>
    %iota3A = tpu.iota {dimensions = array<i32: 0>} : vector<832x32xi32>
    %jit3A = arith.constant 32 : i32
    %eq3A = arith.constant 0 : i32
    %eq3A_13 = arith.cmpi eq, %jit3A, %eq3A : i32
    %jit3A_14 = arith.constant 1 : i32
    %select_n3A = arith.select %eq3A_13, %jit3A_14, %jit3A : i32
    %rem3A = vector.broadcast %select_n3A : i32 to vector<832x32xi32>
    %rem3A_15 = arith.remsi %iota3A, %rem3A : vector<832x32xi32>
    %ne3A = arith.constant 0 : i32
    %ne3A_16 = vector.broadcast %ne3A : i32 to vector<832x32xi32>
    %ne3A_17 = arith.cmpi ne, %rem3A_15, %ne3A_16 : vector<832x32xi32>
    %lt3A = arith.constant 0 : i32
    %lt3A_18 = vector.broadcast %lt3A : i32 to vector<832x32xi32>
    %lt3A_19 = arith.cmpi slt, %rem3A_15, %lt3A_18 : vector<832x32xi32>
    %lt3A_20 = arith.constant 0 : i32
    %lt3A_21 = arith.cmpi slt, %select_n3A, %lt3A_20 : i32
    %ne3A_22 = vector.broadcast %lt3A_21 : i1 to vector<832x32xi1>
    %ne3A_23 = vector.broadcast %ne3A_22 : vector<832x32xi1> to vector<832x32xi1>
    %ne3A_24 = arith.xori %lt3A_19, %ne3A_23 : vector<832x32xi1>
    %and3A = arith.andi %ne3A_24, %ne3A_17 : vector<832x32xi1>
    %add3A_25 = vector.broadcast %select_n3A : i32 to vector<832x32xi32>
    %add3A_26 = arith.addi %rem3A_15, %add3A_25 : vector<832x32xi32>
    %select_n3A_27 = arith.select %and3A, %add3A_26, %rem3A_15 : vector<832x32xi1>, vector<832x32xi32>
    %iota3A_28 = tpu.iota {dimensions = array<i32: 1>} : vector<832x32xi32>
    %eq3A_29 = arith.cmpi eq, %select_n3A_27, %iota3A_28 : vector<832x32xi32>
    %convert_element_type3A = arith.extui %eq3A_29 : vector<832x32xi1> to vector<832x32xi32>
    %convert_element_type3A_30 = arith.sitofp %convert_element_type3A : vector<832x32xi32> to vector<832x32xf32>
    %dot_general3A_31 = arith.constant dense<0.000000e+00> : vector<512x32xf32>
    %dot_general3A_32 = tpu.matmul %get3A_7, %convert_element_type3A_30, %dot_general3A_31 {dimension_numbers = #tpu.dot_dimension_numbers<[1], [0], [0], [1], [0, 0, 1, 1], [], []>, transpose_lhs_hint = false} : vector<512x832xf32>, vector<832x32xf32>, vector<512x32xf32> -> vector<512x32xf32>
    %add3A_33 = arith.addf %broadcast_in_dim3A_2, %dot_general3A_32 : vector<512x32xf32>
    %mul3A = arith.mulf %get3A_7, %get3A_7 : vector<512x832xf32>
    %dot_general3A_34 = arith.constant dense<0.000000e+00> : vector<512x32xf32>
    %dot_general3A_35 = tpu.matmul %mul3A, %convert_element_type3A_30, %dot_general3A_34 {dimension_numbers = #tpu.dot_dimension_numbers<[1], [0], [0], [1], [0, 0, 1, 1], [], []>, transpose_lhs_hint = false} : vector<512x832xf32>, vector<832x32xf32>, vector<512x32xf32> -> vector<512x32xf32>
    %add3A_36 = arith.addf %broadcast_in_dim3A_4, %dot_general3A_35 : vector<512x32xf32>
    %get3A_37 = arith.constant 0 : index
    %get3A_38 = arith.constant 0 : index
    %get3A_39 = vector.load %arg6[%get3A_37, %get3A_38] : memref<1x512xf32, #tpu.memory_space<vmem>>, vector<1x512xf32>
    %get3A_40 = arith.constant 0 : index
    %get3A_41 = arith.constant 0 : index
    %get3A_42 = vector.load %arg9[%get3A_40, %get3A_41] : memref<1x512xf32, #tpu.memory_space<vmem>>, vector<1x512xf32>
    %add3A_43 = arith.constant 9.99999974E-6 : f32
    %add3A_44 = vector.broadcast %add3A_43 : f32 to vector<1x512xf32>
    %add3A_45 = arith.addf %get3A_42, %add3A_44 : vector<1x512xf32>
    %rsqrt3A = math.rsqrt %add3A_45 : vector<1x512xf32>
    %mul3A_46 = arith.mulf %get3A_39, %rsqrt3A : vector<1x512xf32>
    %max3A = arith.constant 0.000000e+00 : f32
    %max3A_47 = vector.broadcast %max3A : f32 to vector<512x512xf32>
    %max3A_48 = arith.maximumf %add3A_12, %max3A_47 : vector<512x512xf32>
    %mul3A_49 = vector.broadcast %mul3A_46 : vector<1x512xf32> to vector<512x512xf32>
    %mul3A_50 = arith.mulf %max3A_48, %mul3A_49 : vector<512x512xf32>
    %get3A_51 = arith.constant 0 : index
    %get3A_52 = arith.constant 0 : index
    %get3A_53 = vector.load %arg7[%get3A_51, %get3A_52] : memref<1x512xf32, #tpu.memory_space<vmem>>, vector<1x512xf32>
    %get3A_54 = arith.constant 0 : index
    %get3A_55 = arith.constant 0 : index
    %get3A_56 = vector.load %arg8[%get3A_54, %get3A_55] : memref<1x512xf32, #tpu.memory_space<vmem>>, vector<1x512xf32>
    %mul3A_57 = arith.mulf %get3A_56, %mul3A_46 : vector<1x512xf32>
    %sub3A = arith.subf %get3A_53, %mul3A_57 : vector<1x512xf32>
    %add3A_58 = vector.broadcast %sub3A : vector<1x512xf32> to vector<512x512xf32>
    %add3A_59 = arith.addf %mul3A_50, %add3A_58 : vector<512x512xf32>
    %get3A_60 = arith.constant 0 : index
    %get3A_61 = arith.constant 0 : index
    %get3A_62 = vector.load %arg3[%get3A_60, %get3A_61] : memref<512x256xf32, #tpu.memory_space<vmem>>, vector<512x256xf32>
    %dot_general3A_63 = arith.constant dense<0.000000e+00> : vector<512x256xf32>
    %dot_general3A_64 = tpu.matmul %add3A_59, %get3A_62, %dot_general3A_63 {dimension_numbers = #tpu.dot_dimension_numbers<[1], [0], [0], [1], [0, 0, 1, 1], [], []>, transpose_lhs_hint = false} : vector<512x512xf32>, vector<512x256xf32>, vector<512x256xf32> -> vector<512x256xf32>
    %get3A_65 = arith.constant 0 : index
    %get3A_66 = arith.constant 0 : index
    %get3A_67 = vector.load %arg10[%get3A_65, %get3A_66] : memref<1x256xf32, #tpu.memory_space<vmem>>, vector<1x256xf32>
    %add3A_68 = vector.broadcast %get3A_67 : vector<1x256xf32> to vector<512x256xf32>
    %add3A_69 = arith.addf %dot_general3A_64, %add3A_68 : vector<512x256xf32>
    %get3A_70 = arith.constant 0 : index
    %get3A_71 = arith.constant 0 : index
    %get3A_72 = vector.load %arg11[%get3A_70, %get3A_71] : memref<1x256xf32, #tpu.memory_space<vmem>>, vector<1x256xf32>
    %get3A_73 = arith.constant 0 : index
    %get3A_74 = arith.constant 0 : index
    %get3A_75 = vector.load %arg14[%get3A_73, %get3A_74] : memref<1x256xf32, #tpu.memory_space<vmem>>, vector<1x256xf32>
    %add3A_76 = arith.constant 9.99999974E-6 : f32
    %add3A_77 = vector.broadcast %add3A_76 : f32 to vector<1x256xf32>
    %add3A_78 = arith.addf %get3A_75, %add3A_77 : vector<1x256xf32>
    %rsqrt3A_79 = math.rsqrt %add3A_78 : vector<1x256xf32>
    %mul3A_80 = arith.mulf %get3A_72, %rsqrt3A_79 : vector<1x256xf32>
    %max3A_81 = arith.constant 0.000000e+00 : f32
    %max3A_82 = vector.broadcast %max3A_81 : f32 to vector<512x256xf32>
    %max3A_83 = arith.maximumf %add3A_69, %max3A_82 : vector<512x256xf32>
    %mul3A_84 = vector.broadcast %mul3A_80 : vector<1x256xf32> to vector<512x256xf32>
    %mul3A_85 = arith.mulf %max3A_83, %mul3A_84 : vector<512x256xf32>
    %get3A_86 = arith.constant 0 : index
    %get3A_87 = arith.constant 0 : index
    %get3A_88 = vector.load %arg12[%get3A_86, %get3A_87] : memref<1x256xf32, #tpu.memory_space<vmem>>, vector<1x256xf32>
    %get3A_89 = arith.constant 0 : index
    %get3A_90 = arith.constant 0 : index
    %get3A_91 = vector.load %arg13[%get3A_89, %get3A_90] : memref<1x256xf32, #tpu.memory_space<vmem>>, vector<1x256xf32>
    %mul3A_92 = arith.mulf %get3A_91, %mul3A_80 : vector<1x256xf32>
    %sub3A_93 = arith.subf %get3A_88, %mul3A_92 : vector<1x256xf32>
    %add3A_94 = vector.broadcast %sub3A_93 : vector<1x256xf32> to vector<512x256xf32>
    %add3A_95 = arith.addf %mul3A_85, %add3A_94 : vector<512x256xf32>
    %get3A_96 = arith.constant 0 : index
    %get3A_97 = arith.constant 0 : index
    %get3A_98 = vector.load %arg4[%get3A_96, %get3A_97] : memref<1x256xf32, #tpu.memory_space<vmem>>, vector<1x256xf32>
    %mul3A_99 = vector.broadcast %get3A_98 : vector<1x256xf32> to vector<512x256xf32>
    %mul3A_100 = arith.mulf %add3A_95, %mul3A_99 : vector<512x256xf32>
    %reduce_sum3A = arith.constant dense<0.000000e+00> : vector<512xf32>
    %reduce_sum3A_101 = vector.multi_reduction <add>, %mul3A_100, %reduce_sum3A [1] : vector<512x256xf32> to vector<512xf32>
    %broadcast_in_dim3A_102 = vector.shape_cast %reduce_sum3A_101 : vector<512xf32> to vector<512x1xf32>
    %mul3A_103 = arith.mulf %add3A_33, %add3A_33 : vector<512x32xf32>
    %sub3A_104 = arith.subf %mul3A_103, %add3A_36 : vector<512x32xf32>
    %reduce_sum3A_105 = arith.constant dense<0.000000e+00> : vector<512xf32>
    %reduce_sum3A_106 = vector.multi_reduction <add>, %sub3A_104, %reduce_sum3A_105 [1] : vector<512x32xf32> to vector<512xf32>
    %broadcast_in_dim3A_107 = vector.shape_cast %reduce_sum3A_106 : vector<512xf32> to vector<512x1xf32>
    %mul3A_108 = arith.constant 5.000000e-01 : f32
    %mul3A_109 = vector.broadcast %mul3A_108 : f32 to vector<512x1xf32>
    %mul3A_110 = arith.mulf %mul3A_109, %broadcast_in_dim3A_107 : vector<512x1xf32>
    %get3A_111 = arith.constant 0 : index
    %get3A_112 = arith.constant 0 : index
    %get3A_113 = vector.load %arg2[%get3A_111, %get3A_112] : memref<512x26xf32, #tpu.memory_space<vmem>>, vector<512x26xf32>
    %reduce_sum3A_114 = arith.constant dense<0.000000e+00> : vector<512xf32>
    %reduce_sum3A_115 = vector.multi_reduction <add>, %get3A_113, %reduce_sum3A_114 [1] : vector<512x26xf32> to vector<512xf32>
    %broadcast_in_dim3A_116 = vector.shape_cast %reduce_sum3A_115 : vector<512xf32> to vector<512x1xf32>
    %get3A_117 = arith.constant 0 : index
    %get3A_118 = arith.constant 0 : index
    %get3A_119 = vector.load %arg15[%get3A_117, %get3A_118] : memref<1x1xf32, #tpu.memory_space<vmem>>, vector<1x1xf32>
    %add3A_120 = vector.broadcast %get3A_119 : vector<1x1xf32> to vector<512x1xf32>
    %add3A_121 = arith.addf %broadcast_in_dim3A_102, %add3A_120 : vector<512x1xf32>
    %add3A_122 = arith.addf %add3A_121, %broadcast_in_dim3A_116 : vector<512x1xf32>
    %add3A_123 = arith.addf %add3A_122, %mul3A_110 : vector<512x1xf32>
    %neg3A = arith.constant 0.000000e+00 : f32
    %neg3A_124 = vector.broadcast %neg3A : f32 to vector<512x1xf32>
    %neg3A_125 = arith.subf %neg3A_124, %add3A_123 : vector<512x1xf32>
    %exp3A = math.exp %neg3A_125 : vector<512x1xf32>
    %add3A_126 = arith.constant 1.000000e+00 : f32
    %add3A_127 = vector.broadcast %add3A_126 : f32 to vector<512x1xf32>
    %add3A_128 = arith.addf %add3A_127, %exp3A : vector<512x1xf32>
    %div3A = arith.constant 1.000000e+00 : f32
    %div3A_129 = vector.broadcast %div3A : f32 to vector<512x1xf32>
    %div3A_130 = arith.divf %div3A_129, %add3A_128 : vector<512x1xf32>
    %swap3A = arith.constant 0 : index
    %swap3A_131 = arith.constant 0 : index
    %swap3A_132 = vector.load %arg17[%swap3A, %swap3A_131] : memref<512x1xf32, #tpu.memory_space<vmem>>, vector<512x1xf32>
    tpu.vector_store %arg17[%swap3A, %swap3A_131], %div3A_130 {strides = array<i32>} : memref<512x1xf32, #tpu.memory_space<vmem>>, vector<512x1xf32>,
    return
  }
  func.func @transform_0(%arg0: i32) -> (i32, i32) {
    %c0_i32 = arith.constant 0 : i32
    %c0_i32_0 = arith.constant 0 : i32
    return %arg0, %c0_i32 : i32, i32
  }
  func.func @transform_1(%arg0: i32) -> (i32, i32) {
    %c0_i32 = arith.constant 0 : i32
    %c0_i32_0 = arith.constant 0 : i32
    return %arg0, %c0_i32 : i32, i32
  }
  func.func @transform_2(%arg0: i32) -> (i32, i32) {
    %c0_i32 = arith.constant 0 : i32
    %c0_i32_0 = arith.constant 0 : i32
    %c0_i32_1 = arith.constant 0 : i32
    return %c0_i32, %c0_i32_0 : i32, i32
  }
  func.func @transform_3(%arg0: i32) -> (i32, i32) {
    %c0_i32 = arith.constant 0 : i32
    %c0_i32_0 = arith.constant 0 : i32
    %c0_i32_1 = arith.constant 0 : i32
    return %c0_i32, %c0_i32_0 : i32, i32
  }
  func.func @transform_4(%arg0: i32) -> (i32, i32) {
    %c0_i32 = arith.constant 0 : i32
    %c0_i32_0 = arith.constant 0 : i32
    %c0_i32_1 = arith.constant 0 : i32
    return %c0_i32, %c0_i32_0 : i32, i32
  }
  func.func @transform_5(%arg0: i32) -> (i32, i32) {
    %c0_i32 = arith.constant 0 : i32
    %c0_i32_0 = arith.constant 0 : i32
    %c0_i32_1 = arith.constant 0 : i32
    return %c0_i32, %c0_i32_0 : i32, i32
  }
  func.func @transform_6(%arg0: i32) -> (i32, i32) {
    %c0_i32 = arith.constant 0 : i32
    %c0_i32_0 = arith.constant 0 : i32
    %c0_i32_1 = arith.constant 0 : i32
    return %c0_i32, %c0_i32_0 : i32, i32
  }
  func.func @transform_7(%arg0: i32) -> (i32, i32) {
    %c0_i32 = arith.constant 0 : i32
    %c0_i32_0 = arith.constant 0 : i32
    %c0_i32_1 = arith.constant 0 : i32
    return %c0_i32, %c0_i32_0 : i32, i32
  }
  func.func @transform_8(%arg0: i32) -> (i32, i32) {
    %c0_i32 = arith.constant 0 : i32
    %c0_i32_0 = arith.constant 0 : i32
    %c0_i32_1 = arith.constant 0 : i32
    return %c0_i32, %c0_i32_0 : i32, i32
  }
  func.func @transform_9(%arg0: i32) -> (i32, i32) {
    %c0_i32 = arith.constant 0 : i32
    %c0_i32_0 = arith.constant 0 : i32
    %c0_i32_1 = arith.constant 0 : i32
    return %c0_i32, %c0_i32_0 : i32, i32
  }
  func.func @transform_10(%arg0: i32) -> (i32, i32) {
    %c0_i32 = arith.constant 0 : i32
    %c0_i32_0 = arith.constant 0 : i32
    %c0_i32_1 = arith.constant 0 : i32
    return %c0_i32, %c0_i32_0 : i32, i32
  }
  func.func @transform_11(%arg0: i32) -> (i32, i32) {
    %c0_i32 = arith.constant 0 : i32
    %c0_i32_0 = arith.constant 0 : i32
    %c0_i32_1 = arith.constant 0 : i32
    return %c0_i32, %c0_i32_0 : i32, i32
  }
  func.func @transform_12(%arg0: i32) -> (i32, i32) {
    %c0_i32 = arith.constant 0 : i32
    %c0_i32_0 = arith.constant 0 : i32
    %c0_i32_1 = arith.constant 0 : i32
    return %c0_i32, %c0_i32_0 : i32, i32
  }
  func.func @transform_13(%arg0: i32) -> (i32, i32) {
    %c0_i32 = arith.constant 0 : i32
    %c0_i32_0 = arith.constant 0 : i32
    %c0_i32_1 = arith.constant 0 : i32
    return %c0_i32, %c0_i32_0 : i32, i32
  }
  func.func @transform_14(%arg0: i32) -> (i32, i32) {
    %c0_i32 = arith.constant 0 : i32
    %c0_i32_0 = arith.constant 0 : i32
    %c0_i32_1 = arith.constant 0 : i32
    return %c0_i32, %c0_i32_0 : i32, i32
  }
  func.func @transform_15(%arg0: i32) -> (i32, i32) {
    %c0_i32 = arith.constant 0 : i32
    %c0_i32_0 = arith.constant 0 : i32
    %c0_i32_1 = arith.constant 0 : i32
    return %c0_i32, %c0_i32_0 : i32, i32
  }
  func.func @transform_16(%arg0: i32) -> (i32, i32) {
    %c0_i32 = arith.constant 0 : i32
    %c0_i32_0 = arith.constant 0 : i32
    return %arg0, %c0_i32 : i32, i32
  }
}

</mosaic_0001>

<sc_bundles>
// kernel: kernel.4.cloned.1.call-start
scs
__scs_entry_jumppad:
0x0: {  	(pc) =	sbr.rel $0x88, $3  }
0x1: {  	(tag) =	ssettag $0x0;
	lr =	simm.s32 $0x1  }
0x2: {  	[smem:$0x3F90] =	sst lr;
	_ =	strace $0xD0000000  }
0x3: {  	_ = 	snop  }
0x4: {  	_ = 	snop  }
0x5: {  	_ = 	snop  }
0x6: {  	_ = 	snop  }
0x7: {  	_ = 	snop  }
__scs_overlays_trampoline_lowered:
0x8: {  	[smem:$0x3F9F] =	sst s0  }
0x9: {  	[smem:$0x3FA0] =	sst s1  }
0xa: {  	[smem:$0x3FA1] =	sst s2  }
0xb: {  	[smem:$0x3FA2] =	sst s3  }
0xc: {  	[smem:$0x3FA3] =	sst s4  }
0xd: {  	[smem:$0x3FA4] =	sst s5  }
0xe: {  	[smem:$0x3FA5] =	sst s6  }
0xf: {  	[smem:$0x3FA6] =	sst s7  }
0x10: {  	[smem:$0x3FA7] =	sst s8  }
0x11: {  	[smem:$0x3FA8] =	sst s9;
	s0 =	simm.s32 @!p0 $0x0  }
0x12: {  	s1 =	sld [smem:$0x3F8E];
	s0 =	simm.s32 @p0 $0x1  }
0x13: {  	[smem:$0x3FA9] =	sst s0;
	s0 =	simm.s32 @!p1 $0x0  }
0x14: {  	s2 =	sld [smem:$0x3F8D];
	s0 =	simm.s32 @p1 $0x1  }
0x15: {  	[smem:$0x3FAA] =	sst s0;
	s0 =	simm.s32 @!p2 $0x0  }
0x16: {  	s3 =	sld [smem:$0x3FDB];
	s0 =	simm.s32 @p2 $0x1  }
0x17: {  	s4 =	simm.s32 $0x1BF5;
	[smem:$0x3FAC] =	sst s0  }
0x18: {  	s0 =	sld [smem:$0x3F8F];
	_ =	swait.ge [sflag:s4], $0x0  }
0x19: {  	s7 =	sld [smem:$0x3F90]  }
0x1a: {  	s8 =	sadd.s32 $0xFFFFE003, lr  }
0x1b: {  	s9 =	sadd.s32 $0xFFFFFEF7, lr;
	s5 =	simm.s32 $0xFFFFFFFF;
	p2 =	slt.u32 s8, $0xFFFFF086  }
0x1c: {  	p1 =	slt.u32 s9, $0xF7A;
	s5 =	simm.s32 @!p2 $0x0  }
0x1d: {  	s5 =	simm.s32 @p1 $0x1;
	p0 =	seq.s32 s7, s2  }
0x1e: {  	s7 =	smul.u32 @!p0 $0xF7A, s2;
	p2 =	seq.s32 @!p0 s5, $0x0  }
0x1f: {  	s9 =	smul.u32 $0xF7A, s1;
	s8 =	simm.s32 @!p0 $0x1BF5;
	p2 =	por !p2, p0  }
0x20: {  	[sflag:s8] =	ssyncset.s32 @!p0 $0xFFFFF086;
	s6 =	sadd.s32 @!p0 s3, s7;
	s7 =	simm.s32 @!p0 $0x108  }
0x21: {  	s3 =	sadd.s32 s3, s9;
	s6 =	sadd.s32 @!p0 $0x88, s6;
	s7 =	simm.s32 @p2 $0x1082  }
0x22: {  	[simem:s7], [sflag:s8] =	dma.local @!p0 [hbm:s6], $0xF7A  }
0x23: {  	s9 =	sor.u32 $0xD0000000, s2;
	s6 =	simm.s32 $0x108;
	_ =	swait.ge @!p0 [sflag:s8], $0x0  }
0x24: {  	s3 =	sadd.s32 $0x88, s3;
	s6 =	simm.s32 @!p1 $0x1082;
	[sflag:s4] =	ssyncset.s32 $0xFFFFF086  }
0x25: {  	[simem:s6], [sflag:s4] =	dma.local [hbm:s3], $0xF7A  }
0x26: {  	[smem:$0x3F90] =	sst s1;
	(tag) =	ssettag s2;
	_ =	strace s9  }
0x27: {  	s1 =	sld [smem:$0x3FA0]  }
0x28: {  	s2 =	sld [smem:$0x3FA1]  }
0x29: {  	s4 =	sld [smem:$0x3FA3]  }
0x2a: {  	p0 =	seq.s32 s5, $0x0;
	s5 =	sld [smem:$0x3FA4]  }
0x2b: {  	s6 =	sld [smem:$0x3FA5]  }
0x2c: {  	s7 =	sld [smem:$0x3FA6]  }
0x2d: {  	s3 =	simm.s32 $0x108;
	s8 =	sld [smem:$0x3FA7]  }
0x2e: {  	s3 =	simm.s32 @!p0 $0x1082;
	s9 =	sld [smem:$0x3FA8]  }
0x2f: {  	lr =	sadd.s32 s0, s3;
	s0 =	sld [smem:$0x3F9F]  }
0x30: {  	s3 =	sld [smem:$0x3FA2]  }
0x31: {  	[smem:$0x3FAB] =	sst s10  }
0x32: {  	s10 =	sld [smem:$0x3FA9];
	_ =	sdelay $0x3  }
0x33: {  	p0 =	seq.s32 s10, $0x1;
	s10 =	sld [smem:$0x3FAB];
	_ =	sdelay $0x3  }
0x34: {  	[smem:$0x3FAB] =	sst s10  }
0x35: {  	s10 =	sld [smem:$0x3FAA];
	_ =	sdelay $0x3  }
0x36: {  	p1 =	seq.s32 s10, $0x1;
	s10 =	sld [smem:$0x3FAB];
	_ =	sdelay $0x3  }
0x37: {  	[smem:$0x3FAB] =	sst s10  }
0x38: {  	s10 =	sld [smem:$0x3FAC]  }
0x39: {  	_ = 	snop;
	(pc) =	sbr.ind lr, $3  }
0x3a: {  	_ = 	snop  }
0x3b: {  	_ = 	snop  }
0x3c: {  	p2 =	seq.s32 s10, $0x1;
	s10 =	sld [smem:$0x3FAB]  }
0x3d: {  	_ =	shalt  }
0x3e: {  	_ =	shalt  }
0x3f: {  	_ =	shalt  }
0x40: {  	_ =	shalt  }
0x41: {  	_ =	shalt  }
0x42: {  	_ =	shalt  }
0x43: {  	_ =	shalt  }
0x44: {  	_ =	shalt  }
0x45: {  	_ =	shalt  }
0x46: {  	_ =	shalt  }
0x47: {  	_ =	shalt  }
0x48: {  	_ =	shalt  }
0x49: {  	_ =	shalt  }
0x4a: {  	_ =	shalt  }
0x4b: {  	_ =	shalt  }
0x4c: {  	_ =	shalt  }
0x4d: {  	_ =	shalt  }
0x4e: {  	_ =	shalt  }
0x4f: {  	_ =	shalt  }
0x50: {  	_ =	shalt  }
0x51: {  	_ =	shalt  }
0x52: {  	_ =	shalt  }
0x53: {  	_ =	shalt  }
0x54: {  	_ =	shalt  }
0x55: {  	_ =	shalt  }
0x56: {  	_ =	shalt  }
0x57: {  	_ =	shalt  }
0x58: {  	_ =	shalt  }
0x59: {  	_ =	shalt  }
0x5a: {  	_ =	shalt  }
0x5b: {  	_ =	shalt  }
0x5c: {  	_ =	shalt  }
0x5d: {  	_ =	shalt  }
0x5e: {  	_ =	shalt  }
0x5f: {  	_ =	shalt  }
0x60: {  	_ =	shalt  }
0x61: {  	_ =	shalt  }
0x62: {  	_ =	shalt  }
0x63: {  	_ =	shalt  }
0x64: {  	_ =	shalt  }
0x65: {  	_ =	shalt  }
0x66: {  	_ =	shalt  }
0x67: {  	_ =	shalt  }
0x68: {  	_ =	shalt  }
0x69: {  	_ =	shalt  }
0x6a: {  	_ =	shalt  }
0x6b: {  	_ =	shalt  }
0x6c: {  	_ =	shalt  }
0x6d: {  	_ =	shalt  }
0x6e: {  	_ =	shalt  }
0x6f: {  	_ =	shalt  }
0x70: {  	_ =	shalt  }
0x71: {  	_ =	shalt  }
0x72: {  	_ =	shalt  }
0x73: {  	_ =	shalt  }
0x74: {  	_ =	shalt  }
0x75: {  	_ =	shalt  }
0x76: {  	_ =	shalt  }
0x77: {  	_ =	shalt  }
0x78: {  	_ =	shalt  }
0x79: {  	_ =	shalt  }
0x7a: {  	_ =	shalt  }
0x7b: {  	_ =	shalt  }
0x7c: {  	_ =	shalt  }
0x7d: {  	_ =	shalt  }
0x7e: {  	_ =	shalt  }
0x7f: {  	_ =	shalt  }
0x80: {  	_ =	shalt  }
0x81: {  	_ =	shalt  }
0x82: {  	_ =	shalt  }
0x83: {  	_ =	shalt  }
0x84: {  	_ =	shalt  }
0x85: {  	_ =	shalt  }
0x86: {  	_ =	shalt  }
0x87: {  	_ =	shalt  }
.Lfunc_end0:
.L_simem_size_0:
called_computation_lowered:
.L_overlay_start_0:
0x88: {  	s2 =	sld [smem:$0x3FD9]  }
0x89: {  	s3 =	sld [smem:$0x3FFE];
	_ =	sdelay $0x1  }
0x8a: {  	s1 =	srdreg.scid  }
0x8b: {  	s0 =	sand.u32 $0x1, s1  }
0x8c: {  	s16 =	sshll.u32 s0, $0xA;
	s2 =	sadd.s32 s3, s2  }
0x8d: {  	s2 =	sadd.s32 s2, s16  }
0x8e: {  	[smem:$0x3FB7] =	sst s2  }
0x8f: {  	_ = 	snop  }
0x90: {  	(tm) =	ssettm $0x1  }
0x91: {  	s17 =	sld [smem:$0x3FFB];
	_ =	sdelay $0x3  }
0x92: {  	_ =	strace s17  }
0x93: {  	s2 =	sld [smem:$0x3FFC];
	_ =	sdelay $0x3  }
0x94: {  	_ =	strace s2  }
0x95: {  	s2 =	sld [smem:$0x3FFD];
	_ =	sdelay $0x3  }
0x96: {  	_ =	strace s2  }
0x97: {  	_ =	strace $0x8FFFFFFF  }
0x98: {  	s18 =	sld [smem:$0x3FDB];
	_ =	sdelay $0x1  }
0x99: {  	s19 =	simm.s32 $_scs_section_size  }
0x9a: {  	s4 =	simm.s32 $_size__tile_overlayer_lowered;
	s5 =	simm.s32 $_tile_overlayer_lowered  }
0x9b: {  	s22 =	simm.s32 $0x1BFF;
	s21 =	sshll.u32 s5, $0x1;
	s2 =	sadd.s32 s19, s18  }
0x9c: {  	s6 =	simm.s32 $0x0;
	s20 =	sshll.u32 s4, $0x1;
	s4 =	sadd.s32 s21, s2  }
0x9d: {  	[timem:s6], [sflag:s22] =	dma.local [hbm:s4], s20  }
0x9e: {  	_ =	swait.ge [sflag:s22], s20  }
0x9f: {  	s3 =	ssub.s32 $0x0, s20;
	[sflag:s22] =	ssyncset.done $0x0  }
0xa0: {  	[sflag:s22] =	ssyncadd.s32 s3;
	_ =	sdelay $0x1  }
0xa1: {  	s23 =	simm.s32 $0x1B8B  }
0xa2: {  	_ =	swait.ge [sflag:s23], $0x1  }
0xa3: {  	[sflag:s23] =	ssyncset.done $0x0  }
0xa4: {  	s25 =	simm.s32 $0x1B8E;
	s24 =	sld [smem:$0x3FFE];
	[sflag:s23] =	ssyncadd.s32 $0xFFFFFFFF  }
0xa5: {  	s26 =	simm.s32 $execute0_lowered;
	[smem:$0x3FD2] =	sst s25  }
0xa6: {  	s4 =	sshll.u32 s26, $0x1;
	_ =	strace $0x80000046;
	[dreg:$0x1] =	wrdreg $0xFFFFFFFF  }
0xa7: {  	s28 =	simm.s32 $_size_execute0_lowered;
	s2 =	sadd.s32 s2, s4;
	[dreg:$0x0] =	wrdreg $0x0  }
0xa8: {  	s4 =	sshll.u32 s28, $0x1;
	[dreg:$0x2] =	wrdreg s2  }
0xa9: {  	[dreg:$0x3] =	wrdreg s4  }
0xaa: {  	[dreg:$0x4] =	wrdreg $0xC0  }
0xab: {  	_ =	task [dreg:s6], $0x5FFFF  }
0xac: {  	[dreg:$0x1] =	wrdreg $0xFFFFFFFF  }
0xad: {  	[dreg:$0x0] =	wrdreg $0x60  }
0xae: {  	[dreg:$0x2] =	wrdreg s24  }
0xaf: {  	[dreg:$0x3] =	wrdreg $0x9  }
0xb0: {  	_ =	task.clear_ibuf [dreg:s6], $0x4FFFF;
	_ =	strace $0x90000046  }
0xb1: {  	s29 =	simm.s32 $0x9;
	_ =	strace $0x80000048  }
0xb2: {  	_ =	swait.ge [sflag:s29], $0x1  }
0xb3: {  	[sflag:s29] =	ssyncadd.s32 $0xFFFFFFFF  }
0xb4: {  	_ =	strace $0x90000048  }
0xb5: {  	_ =	sfence  }
0xb6: {  	s30 =	sld [smem:$0x0];
	_ =	sdelay $0x2  }
0xb7: {  	s31 =	sshll.u32 s1, $0xD;
	s1 =	sshrl.u32 s1, $0x2  }
0xb8: {  	s3 =	sand.u32 $0x4000, s31;
	s1 =	sadd.s32 s1, s30  }
0xb9: {  	s0 =	sor.u32 s3, s0;
	s1 =	sshll.u32 s1, $0x11  }
0xba: {  	s0 =	sor.u32 s1, s0  }
0xbb: {  	s0 =	sadd.s32 $0x8F2B, s0  }
0xbc: {  	[sflag:s0] =	ssyncadd.remote.s32 $0x1  }
0xbd: {  	_ =	sfence.sel $0xFFFF  }
0xbe: {  	[dreg:$0x0] =	wrdreg $0xFFFFFFFF;
	(pc) =	sbr.abs _section_cstart, $3  }
0xbf: {  	[dreg:$0x1] =	wrdreg $0xFFFFFFFF  }
0xc0: {  	_ =	task.clear_ibuf [dreg:s6], $0x2FFFF;
	_ =	strace $0x9FFFFFFF  }
0xc1: {  	(tm) =	ssettm $0x7FFFFFFF  }
tec
execute0_lowered:
.L_overlay_start_1:
0x0: {  	(tag) =	ssettag $0x1  }
0x1: {  	s0 =	srdreg.scid  }
0x2: {  	s2 =	stileid.u32;
	s1 =	rddreg [dreg:$0x0];
	s10 =	simm.s32 $0x3  }
0x3: {  	s11 =	simm.s32 $0x80;
	s12 =	simm.s32 $0x1AD00;
	s31 =	simm.s32 $0xA00  }
0x4: {  	s13 =	simm.s32 $0x1B780;
	s14 =	simm.s32 $0xB00;
	s15 =	simm.s32 $0x1B800  }
0x5: {  	s16 =	simm.s32 $0xB80;
	s17 =	simm.s32 $0x1B880;
	s18 =	simm.s32 $0xC00  }
0x6: {  	s19 =	simm.s32 $0x1B900;
	s20 =	simm.s32 $0xC80;
	s21 =	simm.s32 $0x1B980  }
0x7: {  	s22 =	simm.s32 $0xD00;
	s23 =	simm.s32 $0x1;
	s24 =	simm.s32 $0xDD00  }
0x8: {  	s25 =	simm.s32 $0x2;
	s0 =	sand.u32 $0x1, s0;
	s3 =	sshll.u32 s2, $0x1  }
0x9: {  	s26 =	simm.s32 $0x0;
	s2 =	simm.s32 $0x0;
	s3 =	sor.u32 s0, s3  }
0xa: {  	s4 =	sadd.s32 $0x5600, s1;
	s0 =	ssub.s32 $0x2, s0;
	s5 =	smul.u32 $0x3400, s3  }
0xb: {  	[smem:$0x7FF] =	sst s2;
	s6 =	smul.u32 $0x1A0, s3;
	s30 =	sshrl.u32 s0, $0x1  }
0xc: {  	_ =	strace $0x80000047;
	s3 =	sadd.s32 $0x26D600, s1;
	s0 =	ssub.s32 s0, s30  }
0xd: {  	s7 =	sadd.s32 s5, s1;
	s1 =	sadd.s32 s6, s1;
	s9 =	smax.u32 s0, $0x1  }
0xe: {  	s0 =	simm.s32 $0xA80;
	s5 =	sadd.s32 $0x2200, s1;
	s6 =	sadd.s32 $0x205600, s7  }
0xf: {  	s7 =	sadd.s32 $0x54C00, s7;
	s8 =	sadd.s32 $0xBCC00, s1;
	s1 =	simm.s32 $0x1B700  }
.LBB2_1:
0x10: {  	[tilespmem:s2], [sflag:$0x3] =	stream.linear.gather [hbm4b:s5+s2], $0xD00, $0x38;
	[tilespmem:$0x1BA00] =	vst v63  }
0x11: {  	_ =	swait.ge [sflag:s10], $0xD00  }
0x12: {  	[sflag:s10] =	ssyncset.done $0x0  }
0x13: {  	[sflag:s10] =	ssyncadd.s32 $0xFFFFF300  }
0x14: {  	[tilespmem:s12], [sflag:$0x2] =	stream.indirect.gather [hbm4b:s4+s11], $0x1, s2, s11, $0xb8;
	[tilespmem:$0x1BA00] =	vst v63  }
0x15: {  	s28 =	simm.s32 $0x1AD80  }
0x16: {  	[tilespmem:s28], [sflag:$0x2] =	stream.indirect.gather [hbm4b:s4+s11], $0x1, s11, s11, $0xb8;
	[tilespmem:$0x1BA00] =	vst v63  }
0x17: {  	s29 =	simm.s32 $0x1AE00;
	s28 =	simm.s32 $0x100  }
0x18: {  	[tilespmem:s29], [sflag:$0x2] =	stream.indirect.gather [hbm4b:s4+s11], $0x1, s28, s11, $0xb8;
	[tilespmem:$0x1BA00] =	vst v63  }
0x19: {  	s30 =	simm.s32 $0x1AE80;
	s28 =	simm.s32 $0x180  }
0x1a: {  	[tilespmem:s30], [sflag:$0x2] =	stream.indirect.gather [hbm4b:s4+s11], $0x1, s28, s11, $0xb8;
	[tilespmem:$0x1BA00] =	vst v63  }
0x1b: {  	s28 =	simm.s32 $0x200;
	s30 =	simm.s32 $0x1AF00  }
0x1c: {  	[tilespmem:s30], [sflag:$0x2] =	stream.indirect.gather [hbm4b:s4+s11], $0x1, s28, s11, $0xb8;
	[tilespmem:$0x1BA00] =	vst v63  }
0x1d: {  	s28 =	simm.s32 $0x280;
	s30 =	simm.s32 $0x1AF80  }
0x1e: {  	[tilespmem:s30], [sflag:$0x2] =	stream.indirect.gather [hbm4b:s4+s11], $0x1, s28, s11, $0xb8;
	[tilespmem:$0x1BA00] =	vst v63  }
0x1f: {  	s28 =	simm.s32 $0x300;
	s30 =	simm.s32 $0x1B000  }
0x20: {  	[tilespmem:s30], [sflag:$0x2] =	stream.indirect.gather [hbm4b:s4+s11], $0x1, s28, s11, $0xb8;
	[tilespmem:$0x1BA00] =	vst v63  }
0x21: {  	s28 =	simm.s32 $0x380;
	s30 =	simm.s32 $0x1B080  }
0x22: {  	[tilespmem:s30], [sflag:$0x2] =	stream.indirect.gather [hbm4b:s4+s11], $0x1, s28, s11, $0xb8;
	[tilespmem:$0x1BA00] =	vst v63  }
0x23: {  	s28 =	simm.s32 $0x400;
	s30 =	simm.s32 $0x1B100  }
0x24: {  	[tilespmem:s30], [sflag:$0x2] =	stream.indirect.gather [hbm4b:s4+s11], $0x1, s28, s11, $0xb8;
	[tilespmem:$0x1BA00] =	vst v63  }
0x25: {  	s28 =	simm.s32 $0x480;
	s30 =	simm.s32 $0x1B180  }
0x26: {  	[tilespmem:s30], [sflag:$0x2] =	stream.indirect.gather [hbm4b:s4+s11], $0x1, s28, s11, $0xb8;
	[tilespmem:$0x1BA00] =	vst v63  }
0x27: {  	s28 =	simm.s32 $0x500;
	s30 =	simm.s32 $0x1B200  }
0x28: {  	[tilespmem:s30], [sflag:$0x2] =	stream.indirect.gather [hbm4b:s4+s11], $0x1, s28, s11, $0xb8;
	[tilespmem:$0x1BA00] =	vst v63  }
0x29: {  	s28 =	simm.s32 $0x580;
	s30 =	simm.s32 $0x1B280  }
0x2a: {  	[tilespmem:s30], [sflag:$0x2] =	stream.indirect.gather [hbm4b:s4+s11], $0x1, s28, s11, $0xb8;
	[tilespmem:$0x1BA00] =	vst v63  }
0x2b: {  	s28 =	simm.s32 $0x600;
	s30 =	simm.s32 $0x1B300  }
0x2c: {  	[tilespmem:s30], [sflag:$0x2] =	stream.indirect.gather [hbm4b:s4+s11], $0x1, s28, s11, $0xb8;
	[tilespmem:$0x1BA00] =	vst v63  }
0x2d: {  	s28 =	simm.s32 $0x680;
	s30 =	simm.s32 $0x1B380  }
0x2e: {  	[tilespmem:s30], [sflag:$0x2] =	stream.indirect.gather [hbm4b:s4+s11], $0x1, s28, s11, $0xb8;
	[tilespmem:$0x1BA00] =	vst v63  }
0x2f: {  	s28 =	simm.s32 $0x700;
	s30 =	simm.s32 $0x1B400  }
0x30: {  	[tilespmem:s30], [sflag:$0x2] =	stream.indirect.gather [hbm4b:s4+s11], $0x1, s28, s11, $0xb8;
	[tilespmem:$0x1BA00] =	vst v63  }
0x31: {  	s28 =	simm.s32 $0x780;
	s30 =	simm.s32 $0x1B480  }
0x32: {  	[tilespmem:s30], [sflag:$0x2] =	stream.indirect.gather [hbm4b:s4+s11], $0x1, s28, s11, $0xb8;
	[tilespmem:$0x1BA00] =	vst v63  }
0x33: {  	s28 =	simm.s32 $0x800;
	s30 =	simm.s32 $0x1B500  }
0x34: {  	[tilespmem:s30], [sflag:$0x2] =	stream.indirect.gather [hbm4b:s4+s11], $0x1, s28, s11, $0xb8;
	[tilespmem:$0x1BA00] =	vst v63  }
0x35: {  	s28 =	simm.s32 $0x880;
	s30 =	simm.s32 $0x1B580  }
0x36: {  	[tilespmem:s30], [sflag:$0x2] =	stream.indirect.gather [hbm4b:s4+s11], $0x1, s28, s11, $0xb8;
	[tilespmem:$0x1BA00] =	vst v63  }
0x37: {  	s28 =	simm.s32 $0x900;
	s30 =	simm.s32 $0x1B600  }
0x38: {  	[tilespmem:s30], [sflag:$0x2] =	stream.indirect.gather [hbm4b:s4+s11], $0x1, s28, s11, $0xb8;
	[tilespmem:$0x1BA00] =	vst v63  }
0x39: {  	s28 =	simm.s32 $0x980;
	s30 =	simm.s32 $0x1B680  }
0x3a: {  	[tilespmem:s30], [sflag:$0x2] =	stream.indirect.gather [hbm4b:s4+s11], $0x1, s28, s11, $0xb8;
	[tilespmem:$0x1BA00] =	vst v63  }
0x3b: {  	_ = 	snop  }
0x3c: {  	[tilespmem:s1], [sflag:$0x2] =	stream.indirect.gather [hbm4b:s4+s11], $0x1, s31, s11, $0xb8;
	[tilespmem:$0x1BA00] =	vst v63  }
0x3d: {  	_ = 	snop  }
0x3e: {  	[tilespmem:s13], [sflag:$0x2] =	stream.indirect.gather [hbm4b:s4+s11], $0x1, s0, s11, $0xb8;
	[tilespmem:$0x1BA00] =	vst v63  }
0x3f: {  	_ = 	snop  }
0x40: {  	[tilespmem:s15], [sflag:$0x2] =	stream.indirect.gather [hbm4b:s4+s11], $0x1, s14, s11, $0xb8;
	[tilespmem:$0x1BA00] =	vst v63  }
0x41: {  	_ = 	snop  }
0x42: {  	[tilespmem:s17], [sflag:$0x2] =	stream.indirect.gather [hbm4b:s4+s11], $0x1, s16, s11, $0xb8;
	[tilespmem:$0x1BA00] =	vst v63  }
0x43: {  	_ = 	snop  }
0x44: {  	[tilespmem:s19], [sflag:$0x2] =	stream.indirect.gather [hbm4b:s4+s11], $0x1, s18, s11, $0xb8;
	[tilespmem:$0x1BA00] =	vst v63  }
0x45: {  	_ = 	snop  }
0x46: {  	[tilespmem:s21], [sflag:$0x2] =	stream.indirect.gather [hbm4b:s4+s11], $0x1, s20, s11, $0xb8;
	[tilespmem:$0x1BA00] =	vst v63  }
0x47: {  	_ = 	snop  }
0x48: {  	[tilespmem:s22], [sflag:$0x3] =	stream.linear.gather [hbm4b:s6+s2], $0xD000, $0x38;
	[tilespmem:$0x1BA00] =	vst v63  }
0x49: {  	_ =	swait.ge [sflag:s10], $0xD000  }
0x4a: {  	[sflag:s10] =	ssyncset.done $0x0  }
0x4b: {  	s28 =	simm.s32 $0x0;
	[sflag:s10] =	ssyncadd.s32 $0xFFFF3000  }
.LBB2_2:
0x4c: {  	p0 =	sne.s32 s28, $0x33E00  }
.Ltmp0:
0x4d: {  	_ = 	snop;
	(pc) =	sbr.rel @p0 .LBB2_2-.Ltmp0, $4  }
0x4e: {  	_ = 	snop  }
0x4f: {  	s29 =	sshra.s32 s28, $0x2  }
0x50: {  	s28 =	sadd.s32 $0x200, s28;
	s30 =	sadd.s32 $0xDD00, s29;
	s29 =	sadd.s32 $0xD00, s29  }
0x51: {  	[tilespmem:s30], [sflag:$0x1] =	stream.indirect.gather [hbm4b:s3+s11], $0x1, s29, s11, $0xb8;
	[tilespmem:$0x1BA00] =	vst v63  }
0x52: {  	_ =	swait.ge [sflag:s23], $0x80  }
0x53: {  	s28 =	simm.s32 $0x19F;
	[sflag:s23] =	ssyncset.done $0x0  }
.LBB2_4:
0x54: {  	p0 =	sne.s32 s28, $0x1;
	s28 =	sadd.s32 $0xFFFFFFFF, s28;
	[sflag:s23] =	ssyncadd.s32 $0xFFFFFF80  }
.Ltmp1:
0x55: {  	(pc) =	sbr.rel @p0 .LBB2_4-.Ltmp1, $3  }
0x56: {  	_ =	sdelay $0x1  }
0x57: {  	_ =	swait.ge [sflag:s23], $0x80  }
0x58: {  	[sflag:s23] =	ssyncset.done $0x0  }
0x59: {  	[sflag:s23] =	ssyncadd.s32 $0xFFFFFF80;
	s28 =	simm.s32 $0x0  }
0x5a: {  	[hbm4b:s7+s28] =	stream.linear.scatter [tilespmem:s24], [sflag:$0x3], $0xD000, $0x38;
	[tilespmem:$0x1BA00] =	vst v63  }
0x5b: {  	_ =	swait.ge [sflag:s10], $0xD000  }
0x5c: {  	[sflag:s10] =	ssyncset.done $0x0  }
0x5d: {  	s29 =	sadd.s32 $0x1A00, s6;
	[sflag:s10] =	ssyncadd.s32 $0xFFFF3000  }
0x5e: {  	[tilespmem:s22], [sflag:$0x3] =	stream.linear.gather [hbm4b:s29+s28], $0xD000, $0x38;
	[tilespmem:$0x1BA00] =	vst v63  }
0x5f: {  	_ =	swait.ge [sflag:s10], $0xD000  }
0x60: {  	[sflag:s10] =	ssyncset.done $0x0  }
0x61: {  	[sflag:s10] =	ssyncadd.s32 $0xFFFF3000  }
.LBB2_6:
0x62: {  	p0 =	sne.s32 s28, $0x33E00  }
.Ltmp2:
0x63: {  	_ = 	snop;
	(pc) =	sbr.rel @p0 .LBB2_6-.Ltmp2, $4  }
0x64: {  	_ = 	snop  }
0x65: {  	s29 =	sshra.s32 s28, $0x2  }
0x66: {  	s28 =	sadd.s32 $0x200, s28;
	s30 =	sadd.s32 $0xDD00, s29;
	s29 =	sadd.s32 $0xD00, s29  }
0x67: {  	[tilespmem:s30], [sflag:$0x1] =	stream.indirect.gather [hbm4b:s3+s11], $0x1, s29, s11, $0xb8;
	[tilespmem:$0x1BA00] =	vst v63  }
0x68: {  	_ =	swait.ge [sflag:s23], $0x80  }
0x69: {  	s28 =	simm.s32 $0x19F;
	[sflag:s23] =	ssyncset.done $0x0  }
.LBB2_8:
0x6a: {  	p0 =	sne.s32 s28, $0x1;
	s28 =	sadd.s32 $0xFFFFFFFF, s28;
	[sflag:s23] =	ssyncadd.s32 $0xFFFFFF80  }
.Ltmp3:
0x6b: {  	(pc) =	sbr.rel @p0 .LBB2_8-.Ltmp3, $3  }
0x6c: {  	_ =	sdelay $0x1  }
0x6d: {  	_ =	swait.ge [sflag:s23], $0x80  }
0x6e: {  	[sflag:s23] =	ssyncset.done $0x0  }
0x6f: {  	[sflag:s23] =	ssyncadd.s32 $0xFFFFFF80;
	s28 =	sadd.s32 $0x1A00, s7  }
0x70: {  	[hbm4b:s28+s2] =	stream.linear.scatter [tilespmem:s24], [sflag:$0x3], $0xD000, $0x38;
	[tilespmem:$0x1BA00] =	vst v63  }
0x71: {  	_ =	swait.ge [sflag:s10], $0xD000  }
0x72: {  	[sflag:s10] =	ssyncset.done $0x0  }
0x73: {  	[sflag:s10] =	ssyncadd.s32 $0xFFFF3000  }
0x74: {  	_ =	swait.ge [sflag:s25], $0x80  }
0x75: {  	[sflag:s25] =	ssyncset.done $0x0  }
0x76: {  	[sflag:s25] =	ssyncadd.s32 $0xFFFFFF80  }
0x77: {  	_ =	swait.ge [sflag:s25], $0x80  }
0x78: {  	[sflag:s25] =	ssyncset.done $0x0  }
0x79: {  	[sflag:s25] =	ssyncadd.s32 $0xFFFFFF80  }
0x7a: {  	_ =	swait.ge [sflag:s25], $0x80  }
0x7b: {  	[sflag:s25] =	ssyncset.done $0x0  }
0x7c: {  	[sflag:s25] =	ssyncadd.s32 $0xFFFFFF80  }
0x7d: {  	_ =	swait.ge [sflag:s25], $0x80  }
0x7e: {  	[sflag:s25] =	ssyncset.done $0x0  }
0x7f: {  	[sflag:s25] =	ssyncadd.s32 $0xFFFFFF80  }
0x80: {  	_ =	swait.ge [sflag:s25], $0x80  }
0x81: {  	[sflag:s25] =	ssyncset.done $0x0  }
0x82: {  	[sflag:s25] =	ssyncadd.s32 $0xFFFFFF80  }
0x83: {  	_ =	swait.ge [sflag:s25], $0x80  }
0x84: {  	[sflag:s25] =	ssyncset.done $0x0  }
0x85: {  	[sflag:s25] =	ssyncadd.s32 $0xFFFFFF80  }
0x86: {  	_ =	swait.ge [sflag:s25], $0x80  }
0x87: {  	[sflag:s25] =	ssyncset.done $0x0  }
0x88: {  	[sflag:s25] =	ssyncadd.s32 $0xFFFFFF80  }
0x89: {  	_ =	swait.ge [sflag:s25], $0x80  }
0x8a: {  	[sflag:s25] =	ssyncset.done $0x0  }
0x8b: {  	[sflag:s25] =	ssyncadd.s32 $0xFFFFFF80  }
0x8c: {  	_ =	swait.ge [sflag:s25], $0x80  }
0x8d: {  	[sflag:s25] =	ssyncset.done $0x0  }
0x8e: {  	[sflag:s25] =	ssyncadd.s32 $0xFFFFFF80  }
0x8f: {  	_ =	swait.ge [sflag:s25], $0x80  }
0x90: {  	[sflag:s25] =	ssyncset.done $0x0  }
0x91: {  	[sflag:s25] =	ssyncadd.s32 $0xFFFFFF80  }
0x92: {  	_ =	swait.ge [sflag:s25], $0x80  }
0x93: {  	[sflag:s25] =	ssyncset.done $0x0  }
0x94: {  	[sflag:s25] =	ssyncadd.s32 $0xFFFFFF80  }
0x95: {  	_ =	swait.ge [sflag:s25], $0x80  }
0x96: {  	[sflag:s25] =	ssyncset.done $0x0  }
0x97: {  	[sflag:s25] =	ssyncadd.s32 $0xFFFFFF80  }
0x98: {  	_ =	swait.ge [sflag:s25], $0x80  }
0x99: {  	[sflag:s25] =	ssyncset.done $0x0  }
0x9a: {  	[sflag:s25] =	ssyncadd.s32 $0xFFFFFF80  }
0x9b: {  	_ =	swait.ge [sflag:s25], $0x80  }
0x9c: {  	[sflag:s25] =	ssyncset.done $0x0  }
0x9d: {  	[sflag:s25] =	ssyncadd.s32 $0xFFFFFF80  }
0x9e: {  	_ =	swait.ge [sflag:s25], $0x80  }
0x9f: {  	[sflag:s25] =	ssyncset.done $0x0  }
0xa0: {  	[sflag:s25] =	ssyncadd.s32 $0xFFFFFF80  }
0xa1: {  	_ =	swait.ge [sflag:s25], $0x80  }
0xa2: {  	[sflag:s25] =	ssyncset.done $0x0  }
0xa3: {  	[sflag:s25] =	ssyncadd.s32 $0xFFFFFF80  }
0xa4: {  	_ =	swait.ge [sflag:s25], $0x80  }
0xa5: {  	[sflag:s25] =	ssyncset.done $0x0  }
0xa6: {  	[sflag:s25] =	ssyncadd.s32 $0xFFFFFF80  }
0xa7: {  	_ =	swait.ge [sflag:s25], $0x80  }
0xa8: {  	[sflag:s25] =	ssyncset.done $0x0  }
0xa9: {  	[sflag:s25] =	ssyncadd.s32 $0xFFFFFF80  }
0xaa: {  	_ =	swait.ge [sflag:s25], $0x80  }
0xab: {  	[sflag:s25] =	ssyncset.done $0x0  }
0xac: {  	[sflag:s25] =	ssyncadd.s32 $0xFFFFFF80  }
0xad: {  	_ =	swait.ge [sflag:s25], $0x80  }
0xae: {  	[sflag:s25] =	ssyncset.done $0x0  }
0xaf: {  	[sflag:s25] =	ssyncadd.s32 $0xFFFFFF80  }
0xb0: {  	_ =	swait.ge [sflag:s25], $0x80  }
0xb1: {  	[sflag:s25] =	ssyncset.done $0x0  }
0xb2: {  	[sflag:s25] =	ssyncadd.s32 $0xFFFFFF80  }
0xb3: {  	_ =	swait.ge [sflag:s25], $0x80  }
0xb4: {  	[sflag:s25] =	ssyncset.done $0x0  }
0xb5: {  	[sflag:s25] =	ssyncadd.s32 $0xFFFFFF80  }
0xb6: {  	_ =	swait.ge [sflag:s25], $0x80  }
0xb7: {  	[sflag:s25] =	ssyncset.done $0x0  }
0xb8: {  	[sflag:s25] =	ssyncadd.s32 $0xFFFFFF80  }
0xb9: {  	_ =	swait.ge [sflag:s25], $0x80  }
0xba: {  	[sflag:s25] =	ssyncset.done $0x0  }
0xbb: {  	[sflag:s25] =	ssyncadd.s32 $0xFFFFFF80  }
0xbc: {  	_ =	swait.ge [sflag:s25], $0x80  }
0xbd: {  	[sflag:s25] =	ssyncset.done $0x0  }
0xbe: {  	[sflag:s25] =	ssyncadd.s32 $0xFFFFFF80  }
0xbf: {  	s26 =	sadd.s32 $0x1, s26;
	_ =	swait.ge [sflag:s25], $0x80  }
0xc0: {  	p0 =	sne.s32 s26, s9;
	[sflag:s25] =	ssyncset.done $0x0  }
.Ltmp4:
0xc1: {  	[sflag:s25] =	ssyncadd.s32 $0xFFFFFF80;
	(pc) =	sbr.rel @p0 .LBB2_1-.Ltmp4, $4  }
0xc2: {  	[hbm4b:s8+s2] =	stream.linear.scatter [tilespmem:s12], [sflag:$0x3], $0xD00, $0x38;
	[tilespmem:$0x1BA00] =	vst v63  }
0xc3: {  	_ =	swait.ge [sflag:s10], $0xD00  }
0xc4: {  	[sflag:s10] =	ssyncset.done $0x0  }
0xc5: {  	[sflag:s10] =	ssyncadd.s32 $0xFFFFF300  }
0xc6: {  	_ =	sfence.sel $0x180000  }
0xc7: {  	[bflag:$0x0] =	sbarrier.arrive $0xFFFF  }
0xc8: {  	_ =	strace $0x90000047  }
0xc9: {  	s0 =	stileid.u32;
	[bflag:$0x2] =	sbarrier.arrive $0xFFFF  }
0xca: {  	p0 =	sne.s32 s0, $0x0;
	s0 =	rddreg [dreg:$0x1]  }
0xcb: {  	s0 =	sadd.s32 @!p0 $0x100000, s0  }
0xcc: {  	[sflag:s0] =	ssyncadd.tile.s32 @!p0 $0x1;
	_ =	shalt  }
.Lfunc_end2:
_tile_overlayer_lowered:
.L_overlay_start_2:
0xcd: {  	(tag) =	ssettag $0x2  }
0xce: {  	s0 =	rddreg [dreg:$0x0];
	s2 =	stileid.u32  }
0xcf: {  	s1 =	rddreg [dreg:$0x1];
	p0 =	sne.s32 s2, $0x0  }
0xd0: {  	s3 =	rddreg [dreg:$0x2];
	[bflag:$0x3] =	sbarrier.arrive $0xFFFF;
	s2 =	simm.s32 @!p0 $0x1C03  }
0xd1: {  	[timem:s3], [sflag:s2] =	dma.local @!p0 [hbm:s0], s1  }
0xd2: {  	s0 =	simm.s32 @!p0 $0x3  }
0xd3: {  	_ =	swait.ge @!p0 [sflag:s0], s1  }
0xd4: {  	s1 =	ssub.s32 @!p0 $0x0, s1;
	[sflag:s0] =	ssyncset.done @!p0 $0x0  }
0xd5: {  	[sflag:s0] =	ssyncadd.s32 @!p0 s1  }
0xd6: {  	[bflag:$0x3] =	sbarrier.arrive $0xFFFF  }
0xd7: {  	_ =	shalt  }

</sc_bundles>
